<compile_context>
chip_gen: v7x
topology: tpu7x:2x2x1
jax: 0.10.2.dev20260603
libtpu: 0.0.44.dev20260713+nightly
codegen_flags: <defaults>
</compile_context>

<pallas_src>
import dataclasses

import jax
import jax.numpy as jnp
from jax import lax
from jax.experimental import pallas as pl
from jax.experimental.pallas import tpu as pltpu
from jax.experimental.pallas import tpu_sc as plsc

_NA = 12
_B = 16384
_A = 50
_D = 64
_NC = 2
_NS = 16
_NW = _NC * _NS
_COLS = _B // _NW
_L = 16


_A0 = 24


def _sc_hist_body(xt_hbm, counts_hbm, x_v, acc_v, sem, sem2):
    wid = lax.axis_index("s") * _NC + lax.axis_index("c")
    base = wid * _COLS
    cp1 = pltpu.make_async_copy(
        xt_hbm.at[pl.ds(0, _A0), pl.ds(base, _COLS)],
        x_v.at[pl.ds(0, _A0)], sem)
    cp2 = pltpu.make_async_copy(
        xt_hbm.at[pl.ds(_A0, _A - _A0), pl.ds(base, _COLS)],
        x_v.at[pl.ds(_A0, _A - _A0)], sem2)
    cp1.start()
    cp2.start()
    cp1.wait()

    zeros = jnp.zeros((_L,), jnp.float32)
    ones = jnp.ones((_L,), jnp.float32)
    lane = lax.iota(jnp.int32, _L)

    @plsc.parallel_loop(0, _COLS, _L, unroll=4)
    def _(j):
        sl = pl.ds(j, _L)
        for a in range(_NA):
            acc_v[a, sl] = zeros
        col = lane + j
        for i in range(_A0):
            plsc.addupdate_scatter(acc_v, [x_v[i, sl], col], ones)

    cp2.wait()

    @plsc.parallel_loop(0, _COLS, _L, unroll=4)
    def _(j):
        sl = pl.ds(j, _L)
        col = lane + j
        for i in range(_A0, _A):
            plsc.addupdate_scatter(acc_v, [x_v[i, sl], col], ones)

    pltpu.async_copy(acc_v, counts_hbm.at[:, pl.ds(base, _COLS)], sem).wait()


@jax.jit
def _sc_hist(xt):
    mesh = plsc.VectorSubcoreMesh(core_axis_name="c", subcore_axis_name="s")
    cp = pltpu.CompilerParams()
    if "needs_layout_passes" in pltpu.CompilerParams.__dataclass_fields__:
        cp = dataclasses.replace(cp, needs_layout_passes=False)
    f = pl.kernel(
        _sc_hist_body,
        out_type=jax.ShapeDtypeStruct((_NA, _B), jnp.float32),
        mesh=mesh,
        scratch_types=[
            pltpu.VMEM((_A, _COLS), jnp.int32),
            pltpu.VMEM((_NA, _COLS), jnp.float32),
            pltpu.SemaphoreType.DMA,
            pltpu.SemaphoreType.DMA,
        ],
        compiler_params=cp,
    )
    return f(xt)


def _mm_body(c_ref, tbl_ref, o_ref):
    o_ref[...] = lax.dot_general(
        c_ref[...], tbl_ref[...], (((0,), (0,)), ((), ())),
        preferred_element_type=jnp.float32)


_MB = 4096


def kernel(input, action_table):
    xt = input.astype(jnp.int32).T
    counts = _sc_hist(xt)
    return pl.pallas_call(
        _mm_body,
        grid=(_B // _MB,),
        in_specs=[
            pl.BlockSpec((_NA, _MB), lambda i: (0, i)),
            pl.BlockSpec((_NA, _D), lambda i: (0, 0)),
        ],
        out_specs=pl.BlockSpec((_MB, _D), lambda i: (i, 0)),
        out_shape=jax.ShapeDtypeStruct((_B, _D), jnp.float32),
    )(counts, action_table)

# --- scband reference (transcript-rebuilt; emitter-appended) ---
"""Pipeline reference for scband-action-embedding-58317065945390 (READ-ONLY COPY).

The authoritative reference and input builder live on the scoring server;
editing this copy changes nothing except your own understanding.
"""

import jax, jax.numpy as jnp
import numpy as np

B = 16384
A = 50
DIM = 64
NUM_ACTIONS = 12

def setup_inputs(seed: int = 0) -> dict:
    key = jax.random.key(seed)
    k1, k2 = jax.random.split(key)
    inp = jax.random.randint(k1, (B, A), 0, NUM_ACTIONS, dtype=jnp.int64 if jax.config.jax_enable_x64 else jnp.int32)
    action_table = jax.random.normal(k2, (NUM_ACTIONS, DIM), dtype=jnp.float32)
    return {"input": inp, "action_table": action_table}

def reference(input, action_table):
    Bn, An = input.shape
    x = input.reshape(-1)
    valid = (x >= 0).astype(jnp.float32)
    x = jnp.clip(x, 0, None)
    embs = jnp.take(action_table, x, axis=0)
    embs = embs * valid[:, None]
    return embs.reshape(Bn, An, -1).sum(axis=1)

if __name__ == "__main__":
    import jax
    _d = setup_inputs()
    print(jax.jit(kernel)(*tuple(_d.values())))

</pallas_src>

<mosaic_0001>
#map = affine_map<(d0, d1) -> (0, 0)>
module attributes {stable_mosaic.version = 14 : i64} {
  func.func @_sc_hist_body(%arg0: i32, %arg1: i32, %arg2: memref<50x16384xi32, #tpu.memory_space<hbm>>, %arg3: memref<12x16384xf32, #tpu.memory_space<hbm>>, %arg4: memref<50x512xi32, #tpu.memory_space<vmem>>, %arg5: memref<12x512xf32, #tpu.memory_space<vmem>>, %arg6: memref<!tpu.dma_semaphore, #tpu.memory_space<semaphore_mem>>, %arg7: memref<!tpu.dma_semaphore, #tpu.memory_space<semaphore_mem>>) attributes {dimension_semantics = [#tpu.dimension_semantics<core_parallel>, #tpu.dimension_semantics<subcore_parallel>], iteration_bounds = array<i64: 2, 16>, scalar_prefetch = 0 : i64, scratch_operands = 4 : i64, tpu.core_type = #tpu.core_type<sc_vector_subcore>, window_params = [{transform_indices = #map}, {transform_indices = #map}]} {
    %mul3A = arith.constant 2 : i32
    %mul3A_0 = arith.muli %arg1, %mul3A : i32
    %add3A = arith.addi %mul3A_0, %arg0 : i32
    %mul3A_1 = arith.constant 512 : i32
    %mul3A_2 = arith.muli %add3A, %mul3A_1 : i32
    %dma_start3A = arith.constant 0 : i32
    %dma_start3A_3 = arith.constant 0 : i32
    %dma_start3A_4 = tpu.memref_slice %arg4[%dma_start3A, %dma_start3A_3] : memref<50x512xi32, #tpu.memory_space<vmem>> -> memref<24x512xi32, #tpu.memory_space<vmem>>
    %dma_start3A_5 = arith.constant 0 : i32
    %dma_start3A_6 = tpu.memref_slice %arg2[%dma_start3A_5, %mul3A_2] : memref<50x16384xi32, #tpu.memory_space<hbm>> -> memref<24x512xi32, #tpu.memory_space<hbm>>
    %dma_start3A_7 = arith.constant 0 : i32
    %dma_start3A_8 = arith.constant 0 : i32
    %dma_start3A_9 = tpu.memref_slice %arg4[%dma_start3A_7, %dma_start3A_8] : memref<50x512xi32, #tpu.memory_space<vmem>> -> memref<24x512xi32, #tpu.memory_space<vmem>>
    %dma_start3A_10 = arith.constant 0 : i32
    %dma_start3A_11 = tpu.memref_slice %arg2[%dma_start3A_10, %mul3A_2] : memref<50x16384xi32, #tpu.memory_space<hbm>> -> memref<24x512xi32, #tpu.memory_space<hbm>>
    tpu.enqueue_dma source(%dma_start3A_11 : memref<24x512xi32, #tpu.memory_space<hbm>>) target(%dma_start3A_9 : memref<24x512xi32, #tpu.memory_space<vmem>>) target_semaphore(%arg6 : memref<!tpu.dma_semaphore, #tpu.memory_space<semaphore_mem>>)
    %dma_start3A_12 = arith.constant 24 : i32
    %dma_start3A_13 = arith.constant 0 : i32
    %dma_start3A_14 = tpu.memref_slice %arg4[%dma_start3A_12, %dma_start3A_13] : memref<50x512xi32, #tpu.memory_space<vmem>> -> memref<26x512xi32, #tpu.memory_space<vmem>>
    %dma_start3A_15 = arith.constant 24 : i32
    %dma_start3A_16 = tpu.memref_slice %arg2[%dma_start3A_15, %mul3A_2] : memref<50x16384xi32, #tpu.memory_space<hbm>> -> memref<26x512xi32, #tpu.memory_space<hbm>>
    %dma_start3A_17 = arith.constant 24 : i32
    %dma_start3A_18 = arith.constant 0 : i32
    %dma_start3A_19 = tpu.memref_slice %arg4[%dma_start3A_17, %dma_start3A_18] : memref<50x512xi32, #tpu.memory_space<vmem>> -> memref<26x512xi32, #tpu.memory_space<vmem>>
    %dma_start3A_20 = arith.constant 24 : i32
    %dma_start3A_21 = tpu.memref_slice %arg2[%dma_start3A_20, %mul3A_2] : memref<50x16384xi32, #tpu.memory_space<hbm>> -> memref<26x512xi32, #tpu.memory_space<hbm>>
    tpu.enqueue_dma source(%dma_start3A_21 : memref<26x512xi32, #tpu.memory_space<hbm>>) target(%dma_start3A_19 : memref<26x512xi32, #tpu.memory_space<vmem>>) target_semaphore(%arg7 : memref<!tpu.dma_semaphore, #tpu.memory_space<semaphore_mem>>)
    %dma_wait3A = arith.constant 0 : i32
    %dma_wait3A_22 = arith.constant 0 : i32
    %dma_wait3A_23 = tpu.memref_slice %arg4[%dma_wait3A, %dma_wait3A_22] : memref<50x512xi32, #tpu.memory_space<vmem>> -> memref<24x512xi32, #tpu.memory_space<vmem>>
    %dma_wait3A_24 = arith.constant 0 : i32
    %dma_wait3A_25 = tpu.memref_slice %arg2[%dma_wait3A_24, %mul3A_2] : memref<50x16384xi32, #tpu.memory_space<hbm>> -> memref<24x512xi32, #tpu.memory_space<hbm>>
    %dma_wait3A_26 = arith.constant 0 : i32
    %dma_wait3A_27 = arith.constant 0 : i32
    %dma_wait3A_28 = tpu.memref_slice %arg4[%dma_wait3A_26, %dma_wait3A_27] : memref<50x512xi32, #tpu.memory_space<vmem>> -> memref<24x512xi32, #tpu.memory_space<vmem>>
    %dma_wait3A_29 = arith.constant 0 : i32
    %dma_wait3A_30 = tpu.memref_slice %arg2[%dma_wait3A_29, %mul3A_2] : memref<50x16384xi32, #tpu.memory_space<hbm>> -> memref<24x512xi32, #tpu.memory_space<hbm>>
    tpu.wait_dma2 semaphore(%arg6 : memref<!tpu.dma_semaphore, #tpu.memory_space<semaphore_mem>>) src(%dma_wait3A_30 : memref<24x512xi32, #tpu.memory_space<hbm>>) dst(%dma_wait3A_28 : memref<24x512xi32, #tpu.memory_space<vmem>>)
    %broadcast_in_dim3A = arith.constant 0.000000e+00 : f32
    %broadcast_in_dim3A_31 = vector.broadcast %broadcast_in_dim3A : f32 to vector<16xf32>
    %broadcast_in_dim3A_32 = arith.constant 1.000000e+00 : f32
    %broadcast_in_dim3A_33 = vector.broadcast %broadcast_in_dim3A_32 : f32 to vector<16xf32>
    %iota3A = tpu.iota {dimensions = array<i32: 0>} : vector<16xi32>
    %parallel_loop3A = arith.constant 0 : i32
    %parallel_loop3A_34 = arith.constant 512 : i32
    %parallel_loop3A_35 = arith.constant 16 : i32
    scf.for %parallel_loop3A_57 = %parallel_loop3A to %parallel_loop3A_34 step %parallel_loop3A_35  : i32 {
      %parallel_loop3A_58 = arith.constant 0 : i32
      %parallel_loop3A_59 = arith.index_cast %parallel_loop3A_58 : i32 to index
      %parallel_loop3A_60 = arith.index_cast %parallel_loop3A_57 : i32 to index
      %parallel_loop3A_61 = tpu.vector_load %arg5[%parallel_loop3A_59, %parallel_loop3A_60] {strides = array<i32>} : memref<12x512xf32, #tpu.memory_space<vmem>>, vector<16xf32>,
      tpu.vector_store %arg5[%parallel_loop3A_59, %parallel_loop3A_60], %broadcast_in_dim3A_31 {strides = array<i32>} : memref<12x512xf32, #tpu.memory_space<vmem>>, vector<16xf32>,
      %parallel_loop3A_62 = arith.constant 1 : i32
      %parallel_loop3A_63 = arith.index_cast %parallel_loop3A_62 : i32 to index
      %parallel_loop3A_64 = arith.index_cast %parallel_loop3A_57 : i32 to index
      %parallel_loop3A_65 = tpu.vector_load %arg5[%parallel_loop3A_63, %parallel_loop3A_64] {strides = array<i32>} : memref<12x512xf32, #tpu.memory_space<vmem>>, vector<16xf32>,
      tpu.vector_store %arg5[%parallel_loop3A_63, %parallel_loop3A_64], %broadcast_in_dim3A_31 {strides = array<i32>} : memref<12x512xf32, #tpu.memory_space<vmem>>, vector<16xf32>,
      %parallel_loop3A_66 = arith.constant 2 : i32
      %parallel_loop3A_67 = arith.index_cast %parallel_loop3A_66 : i32 to index
      %parallel_loop3A_68 = arith.index_cast %parallel_loop3A_57 : i32 to index
      %parallel_loop3A_69 = tpu.vector_load %arg5[%parallel_loop3A_67, %parallel_loop3A_68] {strides = array<i32>} : memref<12x512xf32, #tpu.memory_space<vmem>>, vector<16xf32>,
      tpu.vector_store %arg5[%parallel_loop3A_67, %parallel_loop3A_68], %broadcast_in_dim3A_31 {strides = array<i32>} : memref<12x512xf32, #tpu.memory_space<vmem>>, vector<16xf32>,
      %parallel_loop3A_70 = arith.constant 3 : i32
      %parallel_loop3A_71 = arith.index_cast %parallel_loop3A_70 : i32 to index
      %parallel_loop3A_72 = arith.index_cast %parallel_loop3A_57 : i32 to index
      %parallel_loop3A_73 = tpu.vector_load %arg5[%parallel_loop3A_71, %parallel_loop3A_72] {strides = array<i32>} : memref<12x512xf32, #tpu.memory_space<vmem>>, vector<16xf32>,
      tpu.vector_store %arg5[%parallel_loop3A_71, %parallel_loop3A_72], %broadcast_in_dim3A_31 {strides = array<i32>} : memref<12x512xf32, #tpu.memory_space<vmem>>, vector<16xf32>,
      %parallel_loop3A_74 = arith.constant 4 : i32
      %parallel_loop3A_75 = arith.index_cast %parallel_loop3A_74 : i32 to index
      %parallel_loop3A_76 = arith.index_cast %parallel_loop3A_57 : i32 to index
      %parallel_loop3A_77 = tpu.vector_load %arg5[%parallel_loop3A_75, %parallel_loop3A_76] {strides = array<i32>} : memref<12x512xf32, #tpu.memory_space<vmem>>, vector<16xf32>,
      tpu.vector_store %arg5[%parallel_loop3A_75, %parallel_loop3A_76], %broadcast_in_dim3A_31 {strides = array<i32>} : memref<12x512xf32, #tpu.memory_space<vmem>>, vector<16xf32>,
      %parallel_loop3A_78 = arith.constant 5 : i32
      %parallel_loop3A_79 = arith.index_cast %parallel_loop3A_78 : i32 to index
      %parallel_loop3A_80 = arith.index_cast %parallel_loop3A_57 : i32 to index
      %parallel_loop3A_81 = tpu.vector_load %arg5[%parallel_loop3A_79, %parallel_loop3A_80] {strides = array<i32>} : memref<12x512xf32, #tpu.memory_space<vmem>>, vector<16xf32>,
      tpu.vector_store %arg5[%parallel_loop3A_79, %parallel_loop3A_80], %broadcast_in_dim3A_31 {strides = array<i32>} : memref<12x512xf32, #tpu.memory_space<vmem>>, vector<16xf32>,
      %parallel_loop3A_82 = arith.constant 6 : i32
      %parallel_loop3A_83 = arith.index_cast %parallel_loop3A_82 : i32 to index
      %parallel_loop3A_84 = arith.index_cast %parallel_loop3A_57 : i32 to index
      %parallel_loop3A_85 = tpu.vector_load %arg5[%parallel_loop3A_83, %parallel_loop3A_84] {strides = array<i32>} : memref<12x512xf32, #tpu.memory_space<vmem>>, vector<16xf32>,
      tpu.vector_store %arg5[%parallel_loop3A_83, %parallel_loop3A_84], %broadcast_in_dim3A_31 {strides = array<i32>} : memref<12x512xf32, #tpu.memory_space<vmem>>, vector<16xf32>,
      %parallel_loop3A_86 = arith.constant 7 : i32
      %parallel_loop3A_87 = arith.index_cast %parallel_loop3A_86 : i32 to index
      %parallel_loop3A_88 = arith.index_cast %parallel_loop3A_57 : i32 to index
      %parallel_loop3A_89 = tpu.vector_load %arg5[%parallel_loop3A_87, %parallel_loop3A_88] {strides = array<i32>} : memref<12x512xf32, #tpu.memory_space<vmem>>, vector<16xf32>,
      tpu.vector_store %arg5[%parallel_loop3A_87, %parallel_loop3A_88], %broadcast_in_dim3A_31 {strides = array<i32>} : memref<12x512xf32, #tpu.memory_space<vmem>>, vector<16xf32>,
      %parallel_loop3A_90 = arith.constant 8 : i32
      %parallel_loop3A_91 = arith.index_cast %parallel_loop3A_90 : i32 to index
      %parallel_loop3A_92 = arith.index_cast %parallel_loop3A_57 : i32 to index
      %parallel_loop3A_93 = tpu.vector_load %arg5[%parallel_loop3A_91, %parallel_loop3A_92] {strides = array<i32>} : memref<12x512xf32, #tpu.memory_space<vmem>>, vector<16xf32>,
      tpu.vector_store %arg5[%parallel_loop3A_91, %parallel_loop3A_92], %broadcast_in_dim3A_31 {strides = array<i32>} : memref<12x512xf32, #tpu.memory_space<vmem>>, vector<16xf32>,
      %parallel_loop3A_94 = arith.constant 9 : i32
      %parallel_loop3A_95 = arith.index_cast %parallel_loop3A_94 : i32 to index
      %parallel_loop3A_96 = arith.index_cast %parallel_loop3A_57 : i32 to index
      %parallel_loop3A_97 = tpu.vector_load %arg5[%parallel_loop3A_95, %parallel_loop3A_96] {strides = array<i32>} : memref<12x512xf32, #tpu.memory_space<vmem>>, vector<16xf32>,
      tpu.vector_store %arg5[%parallel_loop3A_95, %parallel_loop3A_96], %broadcast_in_dim3A_31 {strides = array<i32>} : memref<12x512xf32, #tpu.memory_space<vmem>>, vector<16xf32>,
      %parallel_loop3A_98 = arith.constant 10 : i32
      %parallel_loop3A_99 = arith.index_cast %parallel_loop3A_98 : i32 to index
      %parallel_loop3A_100 = arith.index_cast %parallel_loop3A_57 : i32 to index
      %parallel_loop3A_101 = tpu.vector_load %arg5[%parallel_loop3A_99, %parallel_loop3A_100] {strides = array<i32>} : memref<12x512xf32, #tpu.memory_space<vmem>>, vector<16xf32>,
      tpu.vector_store %arg5[%parallel_loop3A_99, %parallel_loop3A_100], %broadcast_in_dim3A_31 {strides = array<i32>} : memref<12x512xf32, #tpu.memory_space<vmem>>, vector<16xf32>,
      %parallel_loop3A_102 = arith.constant 11 : i32
      %parallel_loop3A_103 = arith.index_cast %parallel_loop3A_102 : i32 to index
      %parallel_loop3A_104 = arith.index_cast %parallel_loop3A_57 : i32 to index
      %parallel_loop3A_105 = tpu.vector_load %arg5[%parallel_loop3A_103, %parallel_loop3A_104] {strides = array<i32>} : memref<12x512xf32, #tpu.memory_space<vmem>>, vector<16xf32>,
      tpu.vector_store %arg5[%parallel_loop3A_103, %parallel_loop3A_104], %broadcast_in_dim3A_31 {strides = array<i32>} : memref<12x512xf32, #tpu.memory_space<vmem>>, vector<16xf32>,
      %parallel_loop3A_106 = vector.broadcast %parallel_loop3A_57 : i32 to vector<16xi32>
      %parallel_loop3A_107 = arith.addi %iota3A, %parallel_loop3A_106 : vector<16xi32>
      %parallel_loop3A_108 = arith.constant 0 : i32
      %parallel_loop3A_109 = arith.index_cast %parallel_loop3A_108 : i32 to index
      %parallel_loop3A_110 = arith.index_cast %parallel_loop3A_57 : i32 to index
      %parallel_loop3A_111 = tpu.vector_load %arg4[%parallel_loop3A_109, %parallel_loop3A_110] {strides = array<i32>} : memref<50x512xi32, #tpu.memory_space<vmem>>, vector<16xi32>,
      tpu.vector_store_idx %arg5[%parallel_loop3A_111, %parallel_loop3A_107], %broadcast_in_dim3A_33 {add = true} : memref<12x512xf32, #tpu.memory_space<vmem>>[vector<16xi32>, vector<16xi32>], vector<16xf32>,
      %parallel_loop3A_112 = arith.constant 1 : i32
      %parallel_loop3A_113 = arith.index_cast %parallel_loop3A_112 : i32 to index
      %parallel_loop3A_114 = arith.index_cast %parallel_loop3A_57 : i32 to index
      %parallel_loop3A_115 = tpu.vector_load %arg4[%parallel_loop3A_113, %parallel_loop3A_114] {strides = array<i32>} : memref<50x512xi32, #tpu.memory_space<vmem>>, vector<16xi32>,
      tpu.vector_store_idx %arg5[%parallel_loop3A_115, %parallel_loop3A_107], %broadcast_in_dim3A_33 {add = true} : memref<12x512xf32, #tpu.memory_space<vmem>>[vector<16xi32>, vector<16xi32>], vector<16xf32>,
      %parallel_loop3A_116 = arith.constant 2 : i32
      %parallel_loop3A_117 = arith.index_cast %parallel_loop3A_116 : i32 to index
      %parallel_loop3A_118 = arith.index_cast %parallel_loop3A_57 : i32 to index
      %parallel_loop3A_119 = tpu.vector_load %arg4[%parallel_loop3A_117, %parallel_loop3A_118] {strides = array<i32>} : memref<50x512xi32, #tpu.memory_space<vmem>>, vector<16xi32>,
      tpu.vector_store_idx %arg5[%parallel_loop3A_119, %parallel_loop3A_107], %broadcast_in_dim3A_33 {add = true} : memref<12x512xf32, #tpu.memory_space<vmem>>[vector<16xi32>, vector<16xi32>], vector<16xf32>,
      %parallel_loop3A_120 = arith.constant 3 : i32
      %parallel_loop3A_121 = arith.index_cast %parallel_loop3A_120 : i32 to index
      %parallel_loop3A_122 = arith.index_cast %parallel_loop3A_57 : i32 to index
      %parallel_loop3A_123 = tpu.vector_load %arg4[%parallel_loop3A_121, %parallel_loop3A_122] {strides = array<i32>} : memref<50x512xi32, #tpu.memory_space<vmem>>, vector<16xi32>,
      tpu.vector_store_idx %arg5[%parallel_loop3A_123, %parallel_loop3A_107], %broadcast_in_dim3A_33 {add = true} : memref<12x512xf32, #tpu.memory_space<vmem>>[vector<16xi32>, vector<16xi32>], vector<16xf32>,
      %parallel_loop3A_124 = arith.constant 4 : i32
      %parallel_loop3A_125 = arith.index_cast %parallel_loop3A_124 : i32 to index
      %parallel_loop3A_126 = arith.index_cast %parallel_loop3A_57 : i32 to index
      %parallel_loop3A_127 = tpu.vector_load %arg4[%parallel_loop3A_125, %parallel_loop3A_126] {strides = array<i32>} : memref<50x512xi32, #tpu.memory_space<vmem>>, vector<16xi32>,
      tpu.vector_store_idx %arg5[%parallel_loop3A_127, %parallel_loop3A_107], %broadcast_in_dim3A_33 {add = true} : memref<12x512xf32, #tpu.memory_space<vmem>>[vector<16xi32>, vector<16xi32>], vector<16xf32>,
      %parallel_loop3A_128 = arith.constant 5 : i32
      %parallel_loop3A_129 = arith.index_cast %parallel_loop3A_128 : i32 to index
      %parallel_loop3A_130 = arith.index_cast %parallel_loop3A_57 : i32 to index
      %parallel_loop3A_131 = tpu.vector_load %arg4[%parallel_loop3A_129, %parallel_loop3A_130] {strides = array<i32>} : memref<50x512xi32, #tpu.memory_space<vmem>>, vector<16xi32>,
      tpu.vector_store_idx %arg5[%parallel_loop3A_131, %parallel_loop3A_107], %broadcast_in_dim3A_33 {add = true} : memref<12x512xf32, #tpu.memory_space<vmem>>[vector<16xi32>, vector<16xi32>], vector<16xf32>,
      %parallel_loop3A_132 = arith.constant 6 : i32
      %parallel_loop3A_133 = arith.index_cast %parallel_loop3A_132 : i32 to index
      %parallel_loop3A_134 = arith.index_cast %parallel_loop3A_57 : i32 to index
      %parallel_loop3A_135 = tpu.vector_load %arg4[%parallel_loop3A_133, %parallel_loop3A_134] {strides = array<i32>} : memref<50x512xi32, #tpu.memory_space<vmem>>, vector<16xi32>,
      tpu.vector_store_idx %arg5[%parallel_loop3A_135, %parallel_loop3A_107], %broadcast_in_dim3A_33 {add = true} : memref<12x512xf32, #tpu.memory_space<vmem>>[vector<16xi32>, vector<16xi32>], vector<16xf32>,
      %parallel_loop3A_136 = arith.constant 7 : i32
      %parallel_loop3A_137 = arith.index_cast %parallel_loop3A_136 : i32 to index
      %parallel_loop3A_138 = arith.index_cast %parallel_loop3A_57 : i32 to index
      %parallel_loop3A_139 = tpu.vector_load %arg4[%parallel_loop3A_137, %parallel_loop3A_138] {strides = array<i32>} : memref<50x512xi32, #tpu.memory_space<vmem>>, vector<16xi32>,
      tpu.vector_store_idx %arg5[%parallel_loop3A_139, %parallel_loop3A_107], %broadcast_in_dim3A_33 {add = true} : memref<12x512xf32, #tpu.memory_space<vmem>>[vector<16xi32>, vector<16xi32>], vector<16xf32>,
      %parallel_loop3A_140 = arith.constant 8 : i32
      %parallel_loop3A_141 = arith.index_cast %parallel_loop3A_140 : i32 to index
      %parallel_loop3A_142 = arith.index_cast %parallel_loop3A_57 : i32 to index
      %parallel_loop3A_143 = tpu.vector_load %arg4[%parallel_loop3A_141, %parallel_loop3A_142] {strides = array<i32>} : memref<50x512xi32, #tpu.memory_space<vmem>>, vector<16xi32>,
      tpu.vector_store_idx %arg5[%parallel_loop3A_143, %parallel_loop3A_107], %broadcast_in_dim3A_33 {add = true} : memref<12x512xf32, #tpu.memory_space<vmem>>[vector<16xi32>, vector<16xi32>], vector<16xf32>,
      %parallel_loop3A_144 = arith.constant 9 : i32
      %parallel_loop3A_145 = arith.index_cast %parallel_loop3A_144 : i32 to index
      %parallel_loop3A_146 = arith.index_cast %parallel_loop3A_57 : i32 to index
      %parallel_loop3A_147 = tpu.vector_load %arg4[%parallel_loop3A_145, %parallel_loop3A_146] {strides = array<i32>} : memref<50x512xi32, #tpu.memory_space<vmem>>, vector<16xi32>,
      tpu.vector_store_idx %arg5[%parallel_loop3A_147, %parallel_loop3A_107], %broadcast_in_dim3A_33 {add = true} : memref<12x512xf32, #tpu.memory_space<vmem>>[vector<16xi32>, vector<16xi32>], vector<16xf32>,
      %parallel_loop3A_148 = arith.constant 10 : i32
      %parallel_loop3A_149 = arith.index_cast %parallel_loop3A_148 : i32 to index
      %parallel_loop3A_150 = arith.index_cast %parallel_loop3A_57 : i32 to index
      %parallel_loop3A_151 = tpu.vector_load %arg4[%parallel_loop3A_149, %parallel_loop3A_150] {strides = array<i32>} : memref<50x512xi32, #tpu.memory_space<vmem>>, vector<16xi32>,
      tpu.vector_store_idx %arg5[%parallel_loop3A_151, %parallel_loop3A_107], %broadcast_in_dim3A_33 {add = true} : memref<12x512xf32, #tpu.memory_space<vmem>>[vector<16xi32>, vector<16xi32>], vector<16xf32>,
      %parallel_loop3A_152 = arith.constant 11 : i32
      %parallel_loop3A_153 = arith.index_cast %parallel_loop3A_152 : i32 to index
      %parallel_loop3A_154 = arith.index_cast %parallel_loop3A_57 : i32 to index
      %parallel_loop3A_155 = tpu.vector_load %arg4[%parallel_loop3A_153, %parallel_loop3A_154] {strides = array<i32>} : memref<50x512xi32, #tpu.memory_space<vmem>>, vector<16xi32>,
      tpu.vector_store_idx %arg5[%parallel_loop3A_155, %parallel_loop3A_107], %broadcast_in_dim3A_33 {add = true} : memref<12x512xf32, #tpu.memory_space<vmem>>[vector<16xi32>, vector<16xi32>], vector<16xf32>,
      %parallel_loop3A_156 = arith.constant 12 : i32
      %parallel_loop3A_157 = arith.index_cast %parallel_loop3A_156 : i32 to index
      %parallel_loop3A_158 = arith.index_cast %parallel_loop3A_57 : i32 to index
      %parallel_loop3A_159 = tpu.vector_load %arg4[%parallel_loop3A_157, %parallel_loop3A_158] {strides = array<i32>} : memref<50x512xi32, #tpu.memory_space<vmem>>, vector<16xi32>,
      tpu.vector_store_idx %arg5[%parallel_loop3A_159, %parallel_loop3A_107], %broadcast_in_dim3A_33 {add = true} : memref<12x512xf32, #tpu.memory_space<vmem>>[vector<16xi32>, vector<16xi32>], vector<16xf32>,
      %parallel_loop3A_160 = arith.constant 13 : i32
      %parallel_loop3A_161 = arith.index_cast %parallel_loop3A_160 : i32 to index
      %parallel_loop3A_162 = arith.index_cast %parallel_loop3A_57 : i32 to index
      %parallel_loop3A_163 = tpu.vector_load %arg4[%parallel_loop3A_161, %parallel_loop3A_162] {strides = array<i32>} : memref<50x512xi32, #tpu.memory_space<vmem>>, vector<16xi32>,
      tpu.vector_store_idx %arg5[%parallel_loop3A_163, %parallel_loop3A_107], %broadcast_in_dim3A_33 {add = true} : memref<12x512xf32, #tpu.memory_space<vmem>>[vector<16xi32>, vector<16xi32>], vector<16xf32>,
      %parallel_loop3A_164 = arith.constant 14 : i32
      %parallel_loop3A_165 = arith.index_cast %parallel_loop3A_164 : i32 to index
      %parallel_loop3A_166 = arith.index_cast %parallel_loop3A_57 : i32 to index
      %parallel_loop3A_167 = tpu.vector_load %arg4[%parallel_loop3A_165, %parallel_loop3A_166] {strides = array<i32>} : memref<50x512xi32, #tpu.memory_space<vmem>>, vector<16xi32>,
      tpu.vector_store_idx %arg5[%parallel_loop3A_167, %parallel_loop3A_107], %broadcast_in_dim3A_33 {add = true} : memref<12x512xf32, #tpu.memory_space<vmem>>[vector<16xi32>, vector<16xi32>], vector<16xf32>,
      %parallel_loop3A_168 = arith.constant 15 : i32
      %parallel_loop3A_169 = arith.index_cast %parallel_loop3A_168 : i32 to index
      %parallel_loop3A_170 = arith.index_cast %parallel_loop3A_57 : i32 to index
      %parallel_loop3A_171 = tpu.vector_load %arg4[%parallel_loop3A_169, %parallel_loop3A_170] {strides = array<i32>} : memref<50x512xi32, #tpu.memory_space<vmem>>, vector<16xi32>,
      tpu.vector_store_idx %arg5[%parallel_loop3A_171, %parallel_loop3A_107], %broadcast_in_dim3A_33 {add = true} : memref<12x512xf32, #tpu.memory_space<vmem>>[vector<16xi32>, vector<16xi32>], vector<16xf32>,
      %parallel_loop3A_172 = arith.constant 16 : i32
      %parallel_loop3A_173 = arith.index_cast %parallel_loop3A_172 : i32 to index
      %parallel_loop3A_174 = arith.index_cast %parallel_loop3A_57 : i32 to index
      %parallel_loop3A_175 = tpu.vector_load %arg4[%parallel_loop3A_173, %parallel_loop3A_174] {strides = array<i32>} : memref<50x512xi32, #tpu.memory_space<vmem>>, vector<16xi32>,
      tpu.vector_store_idx %arg5[%parallel_loop3A_175, %parallel_loop3A_107], %broadcast_in_dim3A_33 {add = true} : memref<12x512xf32, #tpu.memory_space<vmem>>[vector<16xi32>, vector<16xi32>], vector<16xf32>,
      %parallel_loop3A_176 = arith.constant 17 : i32
      %parallel_loop3A_177 = arith.index_cast %parallel_loop3A_176 : i32 to index
      %parallel_loop3A_178 = arith.index_cast %parallel_loop3A_57 : i32 to index
      %parallel_loop3A_179 = tpu.vector_load %arg4[%parallel_loop3A_177, %parallel_loop3A_178] {strides = array<i32>} : memref<50x512xi32, #tpu.memory_space<vmem>>, vector<16xi32>,
      tpu.vector_store_idx %arg5[%parallel_loop3A_179, %parallel_loop3A_107], %broadcast_in_dim3A_33 {add = true} : memref<12x512xf32, #tpu.memory_space<vmem>>[vector<16xi32>, vector<16xi32>], vector<16xf32>,
      %parallel_loop3A_180 = arith.constant 18 : i32
      %parallel_loop3A_181 = arith.index_cast %parallel_loop3A_180 : i32 to index
      %parallel_loop3A_182 = arith.index_cast %parallel_loop3A_57 : i32 to index
      %parallel_loop3A_183 = tpu.vector_load %arg4[%parallel_loop3A_181, %parallel_loop3A_182] {strides = array<i32>} : memref<50x512xi32, #tpu.memory_space<vmem>>, vector<16xi32>,
      tpu.vector_store_idx %arg5[%parallel_loop3A_183, %parallel_loop3A_107], %broadcast_in_dim3A_33 {add = true} : memref<12x512xf32, #tpu.memory_space<vmem>>[vector<16xi32>, vector<16xi32>], vector<16xf32>,
      %parallel_loop3A_184 = arith.constant 19 : i32
      %parallel_loop3A_185 = arith.index_cast %parallel_loop3A_184 : i32 to index
      %parallel_loop3A_186 = arith.index_cast %parallel_loop3A_57 : i32 to index
      %parallel_loop3A_187 = tpu.vector_load %arg4[%parallel_loop3A_185, %parallel_loop3A_186] {strides = array<i32>} : memref<50x512xi32, #tpu.memory_space<vmem>>, vector<16xi32>,
      tpu.vector_store_idx %arg5[%parallel_loop3A_187, %parallel_loop3A_107], %broadcast_in_dim3A_33 {add = true} : memref<12x512xf32, #tpu.memory_space<vmem>>[vector<16xi32>, vector<16xi32>], vector<16xf32>,
      %parallel_loop3A_188 = arith.constant 20 : i32
      %parallel_loop3A_189 = arith.index_cast %parallel_loop3A_188 : i32 to index
      %parallel_loop3A_190 = arith.index_cast %parallel_loop3A_57 : i32 to index
      %parallel_loop3A_191 = tpu.vector_load %arg4[%parallel_loop3A_189, %parallel_loop3A_190] {strides = array<i32>} : memref<50x512xi32, #tpu.memory_space<vmem>>, vector<16xi32>,
      tpu.vector_store_idx %arg5[%parallel_loop3A_191, %parallel_loop3A_107], %broadcast_in_dim3A_33 {add = true} : memref<12x512xf32, #tpu.memory_space<vmem>>[vector<16xi32>, vector<16xi32>], vector<16xf32>,
      %parallel_loop3A_192 = arith.constant 21 : i32
      %parallel_loop3A_193 = arith.index_cast %parallel_loop3A_192 : i32 to index
      %parallel_loop3A_194 = arith.index_cast %parallel_loop3A_57 : i32 to index
      %parallel_loop3A_195 = tpu.vector_load %arg4[%parallel_loop3A_193, %parallel_loop3A_194] {strides = array<i32>} : memref<50x512xi32, #tpu.memory_space<vmem>>, vector<16xi32>,
      tpu.vector_store_idx %arg5[%parallel_loop3A_195, %parallel_loop3A_107], %broadcast_in_dim3A_33 {add = true} : memref<12x512xf32, #tpu.memory_space<vmem>>[vector<16xi32>, vector<16xi32>], vector<16xf32>,
      %parallel_loop3A_196 = arith.constant 22 : i32
      %parallel_loop3A_197 = arith.index_cast %parallel_loop3A_196 : i32 to index
      %parallel_loop3A_198 = arith.index_cast %parallel_loop3A_57 : i32 to index
      %parallel_loop3A_199 = tpu.vector_load %arg4[%parallel_loop3A_197, %parallel_loop3A_198] {strides = array<i32>} : memref<50x512xi32, #tpu.memory_space<vmem>>, vector<16xi32>,
      tpu.vector_store_idx %arg5[%parallel_loop3A_199, %parallel_loop3A_107], %broadcast_in_dim3A_33 {add = true} : memref<12x512xf32, #tpu.memory_space<vmem>>[vector<16xi32>, vector<16xi32>], vector<16xf32>,
      %parallel_loop3A_200 = arith.constant 23 : i32
      %parallel_loop3A_201 = arith.index_cast %parallel_loop3A_200 : i32 to index
      %parallel_loop3A_202 = arith.index_cast %parallel_loop3A_57 : i32 to index
      %parallel_loop3A_203 = tpu.vector_load %arg4[%parallel_loop3A_201, %parallel_loop3A_202] {strides = array<i32>} : memref<50x512xi32, #tpu.memory_space<vmem>>, vector<16xi32>,
      tpu.vector_store_idx %arg5[%parallel_loop3A_203, %parallel_loop3A_107], %broadcast_in_dim3A_33 {add = true} : memref<12x512xf32, #tpu.memory_space<vmem>>[vector<16xi32>, vector<16xi32>], vector<16xf32>,
    } {sc.loop_unroll_factor = 4 : i64, sc.parallel_access}
    %dma_wait3A_36 = arith.constant 24 : i32
    %dma_wait3A_37 = arith.constant 0 : i32
    %dma_wait3A_38 = tpu.memref_slice %arg4[%dma_wait3A_36, %dma_wait3A_37] : memref<50x512xi32, #tpu.memory_space<vmem>> -> memref<26x512xi32, #tpu.memory_space<vmem>>
    %dma_wait3A_39 = arith.constant 24 : i32
    %dma_wait3A_40 = tpu.memref_slice %arg2[%dma_wait3A_39, %mul3A_2] : memref<50x16384xi32, #tpu.memory_space<hbm>> -> memref<26x512xi32, #tpu.memory_space<hbm>>
    %dma_wait3A_41 = arith.constant 24 : i32
    %dma_wait3A_42 = arith.constant 0 : i32
    %dma_wait3A_43 = tpu.memref_slice %arg4[%dma_wait3A_41, %dma_wait3A_42] : memref<50x512xi32, #tpu.memory_space<vmem>> -> memref<26x512xi32, #tpu.memory_space<vmem>>
    %dma_wait3A_44 = arith.constant 24 : i32
    %dma_wait3A_45 = tpu.memref_slice %arg2[%dma_wait3A_44, %mul3A_2] : memref<50x16384xi32, #tpu.memory_space<hbm>> -> memref<26x512xi32, #tpu.memory_space<hbm>>
    tpu.wait_dma2 semaphore(%arg7 : memref<!tpu.dma_semaphore, #tpu.memory_space<semaphore_mem>>) src(%dma_wait3A_45 : memref<26x512xi32, #tpu.memory_space<hbm>>) dst(%dma_wait3A_43 : memref<26x512xi32, #tpu.memory_space<vmem>>)
    %parallel_loop3A_46 = arith.constant 0 : i32
    %parallel_loop3A_47 = arith.constant 512 : i32
    %parallel_loop3A_48 = arith.constant 16 : i32
    scf.for %parallel_loop3A_57 = %parallel_loop3A_46 to %parallel_loop3A_47 step %parallel_loop3A_48  : i32 {
      %parallel_loop3A_58 = vector.broadcast %parallel_loop3A_57 : i32 to vector<16xi32>
      %parallel_loop3A_59 = arith.addi %iota3A, %parallel_loop3A_58 : vector<16xi32>
      %parallel_loop3A_60 = arith.constant 24 : i32
      %parallel_loop3A_61 = arith.index_cast %parallel_loop3A_60 : i32 to index
      %parallel_loop3A_62 = arith.index_cast %parallel_loop3A_57 : i32 to index
      %parallel_loop3A_63 = tpu.vector_load %arg4[%parallel_loop3A_61, %parallel_loop3A_62] {strides = array<i32>} : memref<50x512xi32, #tpu.memory_space<vmem>>, vector<16xi32>,
      tpu.vector_store_idx %arg5[%parallel_loop3A_63, %parallel_loop3A_59], %broadcast_in_dim3A_33 {add = true} : memref<12x512xf32, #tpu.memory_space<vmem>>[vector<16xi32>, vector<16xi32>], vector<16xf32>,
      %parallel_loop3A_64 = arith.constant 25 : i32
      %parallel_loop3A_65 = arith.index_cast %parallel_loop3A_64 : i32 to index
      %parallel_loop3A_66 = arith.index_cast %parallel_loop3A_57 : i32 to index
      %parallel_loop3A_67 = tpu.vector_load %arg4[%parallel_loop3A_65, %parallel_loop3A_66] {strides = array<i32>} : memref<50x512xi32, #tpu.memory_space<vmem>>, vector<16xi32>,
      tpu.vector_store_idx %arg5[%parallel_loop3A_67, %parallel_loop3A_59], %broadcast_in_dim3A_33 {add = true} : memref<12x512xf32, #tpu.memory_space<vmem>>[vector<16xi32>, vector<16xi32>], vector<16xf32>,
      %parallel_loop3A_68 = arith.constant 26 : i32
      %parallel_loop3A_69 = arith.index_cast %parallel_loop3A_68 : i32 to index
      %parallel_loop3A_70 = arith.index_cast %parallel_loop3A_57 : i32 to index
      %parallel_loop3A_71 = tpu.vector_load %arg4[%parallel_loop3A_69, %parallel_loop3A_70] {strides = array<i32>} : memref<50x512xi32, #tpu.memory_space<vmem>>, vector<16xi32>,
      tpu.vector_store_idx %arg5[%parallel_loop3A_71, %parallel_loop3A_59], %broadcast_in_dim3A_33 {add = true} : memref<12x512xf32, #tpu.memory_space<vmem>>[vector<16xi32>, vector<16xi32>], vector<16xf32>,
      %parallel_loop3A_72 = arith.constant 27 : i32
      %parallel_loop3A_73 = arith.index_cast %parallel_loop3A_72 : i32 to index
      %parallel_loop3A_74 = arith.index_cast %parallel_loop3A_57 : i32 to index
      %parallel_loop3A_75 = tpu.vector_load %arg4[%parallel_loop3A_73, %parallel_loop3A_74] {strides = array<i32>} : memref<50x512xi32, #tpu.memory_space<vmem>>, vector<16xi32>,
      tpu.vector_store_idx %arg5[%parallel_loop3A_75, %parallel_loop3A_59], %broadcast_in_dim3A_33 {add = true} : memref<12x512xf32, #tpu.memory_space<vmem>>[vector<16xi32>, vector<16xi32>], vector<16xf32>,
      %parallel_loop3A_76 = arith.constant 28 : i32
      %parallel_loop3A_77 = arith.index_cast %parallel_loop3A_76 : i32 to index
      %parallel_loop3A_78 = arith.index_cast %parallel_loop3A_57 : i32 to index
      %parallel_loop3A_79 = tpu.vector_load %arg4[%parallel_loop3A_77, %parallel_loop3A_78] {strides = array<i32>} : memref<50x512xi32, #tpu.memory_space<vmem>>, vector<16xi32>,
      tpu.vector_store_idx %arg5[%parallel_loop3A_79, %parallel_loop3A_59], %broadcast_in_dim3A_33 {add = true} : memref<12x512xf32, #tpu.memory_space<vmem>>[vector<16xi32>, vector<16xi32>], vector<16xf32>,
      %parallel_loop3A_80 = arith.constant 29 : i32
      %parallel_loop3A_81 = arith.index_cast %parallel_loop3A_80 : i32 to index
      %parallel_loop3A_82 = arith.index_cast %parallel_loop3A_57 : i32 to index
      %parallel_loop3A_83 = tpu.vector_load %arg4[%parallel_loop3A_81, %parallel_loop3A_82] {strides = array<i32>} : memref<50x512xi32, #tpu.memory_space<vmem>>, vector<16xi32>,
      tpu.vector_store_idx %arg5[%parallel_loop3A_83, %parallel_loop3A_59], %broadcast_in_dim3A_33 {add = true} : memref<12x512xf32, #tpu.memory_space<vmem>>[vector<16xi32>, vector<16xi32>], vector<16xf32>,
      %parallel_loop3A_84 = arith.constant 30 : i32
      %parallel_loop3A_85 = arith.index_cast %parallel_loop3A_84 : i32 to index
      %parallel_loop3A_86 = arith.index_cast %parallel_loop3A_57 : i32 to index
      %parallel_loop3A_87 = tpu.vector_load %arg4[%parallel_loop3A_85, %parallel_loop3A_86] {strides = array<i32>} : memref<50x512xi32, #tpu.memory_space<vmem>>, vector<16xi32>,
      tpu.vector_store_idx %arg5[%parallel_loop3A_87, %parallel_loop3A_59], %broadcast_in_dim3A_33 {add = true} : memref<12x512xf32, #tpu.memory_space<vmem>>[vector<16xi32>, vector<16xi32>], vector<16xf32>,
      %parallel_loop3A_88 = arith.constant 31 : i32
      %parallel_loop3A_89 = arith.index_cast %parallel_loop3A_88 : i32 to index
      %parallel_loop3A_90 = arith.index_cast %parallel_loop3A_57 : i32 to index
      %parallel_loop3A_91 = tpu.vector_load %arg4[%parallel_loop3A_89, %parallel_loop3A_90] {strides = array<i32>} : memref<50x512xi32, #tpu.memory_space<vmem>>, vector<16xi32>,
      tpu.vector_store_idx %arg5[%parallel_loop3A_91, %parallel_loop3A_59], %broadcast_in_dim3A_33 {add = true} : memref<12x512xf32, #tpu.memory_space<vmem>>[vector<16xi32>, vector<16xi32>], vector<16xf32>,
      %parallel_loop3A_92 = arith.constant 32 : i32
      %parallel_loop3A_93 = arith.index_cast %parallel_loop3A_92 : i32 to index
      %parallel_loop3A_94 = arith.index_cast %parallel_loop3A_57 : i32 to index
      %parallel_loop3A_95 = tpu.vector_load %arg4[%parallel_loop3A_93, %parallel_loop3A_94] {strides = array<i32>} : memref<50x512xi32, #tpu.memory_space<vmem>>, vector<16xi32>,
      tpu.vector_store_idx %arg5[%parallel_loop3A_95, %parallel_loop3A_59], %broadcast_in_dim3A_33 {add = true} : memref<12x512xf32, #tpu.memory_space<vmem>>[vector<16xi32>, vector<16xi32>], vector<16xf32>,
      %parallel_loop3A_96 = arith.constant 33 : i32
      %parallel_loop3A_97 = arith.index_cast %parallel_loop3A_96 : i32 to index
      %parallel_loop3A_98 = arith.index_cast %parallel_loop3A_57 : i32 to index
      %parallel_loop3A_99 = tpu.vector_load %arg4[%parallel_loop3A_97, %parallel_loop3A_98] {strides = array<i32>} : memref<50x512xi32, #tpu.memory_space<vmem>>, vector<16xi32>,
      tpu.vector_store_idx %arg5[%parallel_loop3A_99, %parallel_loop3A_59], %broadcast_in_dim3A_33 {add = true} : memref<12x512xf32, #tpu.memory_space<vmem>>[vector<16xi32>, vector<16xi32>], vector<16xf32>,
      %parallel_loop3A_100 = arith.constant 34 : i32
      %parallel_loop3A_101 = arith.index_cast %parallel_loop3A_100 : i32 to index
      %parallel_loop3A_102 = arith.index_cast %parallel_loop3A_57 : i32 to index
      %parallel_loop3A_103 = tpu.vector_load %arg4[%parallel_loop3A_101, %parallel_loop3A_102] {strides = array<i32>} : memref<50x512xi32, #tpu.memory_space<vmem>>, vector<16xi32>,
      tpu.vector_store_idx %arg5[%parallel_loop3A_103, %parallel_loop3A_59], %broadcast_in_dim3A_33 {add = true} : memref<12x512xf32, #tpu.memory_space<vmem>>[vector<16xi32>, vector<16xi32>], vector<16xf32>,
      %parallel_loop3A_104 = arith.constant 35 : i32
      %parallel_loop3A_105 = arith.index_cast %parallel_loop3A_104 : i32 to index
      %parallel_loop3A_106 = arith.index_cast %parallel_loop3A_57 : i32 to index
      %parallel_loop3A_107 = tpu.vector_load %arg4[%parallel_loop3A_105, %parallel_loop3A_106] {strides = array<i32>} : memref<50x512xi32, #tpu.memory_space<vmem>>, vector<16xi32>,
      tpu.vector_store_idx %arg5[%parallel_loop3A_107, %parallel_loop3A_59], %broadcast_in_dim3A_33 {add = true} : memref<12x512xf32, #tpu.memory_space<vmem>>[vector<16xi32>, vector<16xi32>], vector<16xf32>,
      %parallel_loop3A_108 = arith.constant 36 : i32
      %parallel_loop3A_109 = arith.index_cast %parallel_loop3A_108 : i32 to index
      %parallel_loop3A_110 = arith.index_cast %parallel_loop3A_57 : i32 to index
      %parallel_loop3A_111 = tpu.vector_load %arg4[%parallel_loop3A_109, %parallel_loop3A_110] {strides = array<i32>} : memref<50x512xi32, #tpu.memory_space<vmem>>, vector<16xi32>,
      tpu.vector_store_idx %arg5[%parallel_loop3A_111, %parallel_loop3A_59], %broadcast_in_dim3A_33 {add = true} : memref<12x512xf32, #tpu.memory_space<vmem>>[vector<16xi32>, vector<16xi32>], vector<16xf32>,
      %parallel_loop3A_112 = arith.constant 37 : i32
      %parallel_loop3A_113 = arith.index_cast %parallel_loop3A_112 : i32 to index
      %parallel_loop3A_114 = arith.index_cast %parallel_loop3A_57 : i32 to index
      %parallel_loop3A_115 = tpu.vector_load %arg4[%parallel_loop3A_113, %parallel_loop3A_114] {strides = array<i32>} : memref<50x512xi32, #tpu.memory_space<vmem>>, vector<16xi32>,
      tpu.vector_store_idx %arg5[%parallel_loop3A_115, %parallel_loop3A_59], %broadcast_in_dim3A_33 {add = true} : memref<12x512xf32, #tpu.memory_space<vmem>>[vector<16xi32>, vector<16xi32>], vector<16xf32>,
      %parallel_loop3A_116 = arith.constant 38 : i32
      %parallel_loop3A_117 = arith.index_cast %parallel_loop3A_116 : i32 to index
      %parallel_loop3A_118 = arith.index_cast %parallel_loop3A_57 : i32 to index
      %parallel_loop3A_119 = tpu.vector_load %arg4[%parallel_loop3A_117, %parallel_loop3A_118] {strides = array<i32>} : memref<50x512xi32, #tpu.memory_space<vmem>>, vector<16xi32>,
      tpu.vector_store_idx %arg5[%parallel_loop3A_119, %parallel_loop3A_59], %broadcast_in_dim3A_33 {add = true} : memref<12x512xf32, #tpu.memory_space<vmem>>[vector<16xi32>, vector<16xi32>], vector<16xf32>,
      %parallel_loop3A_120 = arith.constant 39 : i32
      %parallel_loop3A_121 = arith.index_cast %parallel_loop3A_120 : i32 to index
      %parallel_loop3A_122 = arith.index_cast %parallel_loop3A_57 : i32 to index
      %parallel_loop3A_123 = tpu.vector_load %arg4[%parallel_loop3A_121, %parallel_loop3A_122] {strides = array<i32>} : memref<50x512xi32, #tpu.memory_space<vmem>>, vector<16xi32>,
      tpu.vector_store_idx %arg5[%parallel_loop3A_123, %parallel_loop3A_59], %broadcast_in_dim3A_33 {add = true} : memref<12x512xf32, #tpu.memory_space<vmem>>[vector<16xi32>, vector<16xi32>], vector<16xf32>,
      %parallel_loop3A_124 = arith.constant 40 : i32
      %parallel_loop3A_125 = arith.index_cast %parallel_loop3A_124 : i32 to index
      %parallel_loop3A_126 = arith.index_cast %parallel_loop3A_57 : i32 to index
      %parallel_loop3A_127 = tpu.vector_load %arg4[%parallel_loop3A_125, %parallel_loop3A_126] {strides = array<i32>} : memref<50x512xi32, #tpu.memory_space<vmem>>, vector<16xi32>,
      tpu.vector_store_idx %arg5[%parallel_loop3A_127, %parallel_loop3A_59], %broadcast_in_dim3A_33 {add = true} : memref<12x512xf32, #tpu.memory_space<vmem>>[vector<16xi32>, vector<16xi32>], vector<16xf32>,
      %parallel_loop3A_128 = arith.constant 41 : i32
      %parallel_loop3A_129 = arith.index_cast %parallel_loop3A_128 : i32 to index
      %parallel_loop3A_130 = arith.index_cast %parallel_loop3A_57 : i32 to index
      %parallel_loop3A_131 = tpu.vector_load %arg4[%parallel_loop3A_129, %parallel_loop3A_130] {strides = array<i32>} : memref<50x512xi32, #tpu.memory_space<vmem>>, vector<16xi32>,
      tpu.vector_store_idx %arg5[%parallel_loop3A_131, %parallel_loop3A_59], %broadcast_in_dim3A_33 {add = true} : memref<12x512xf32, #tpu.memory_space<vmem>>[vector<16xi32>, vector<16xi32>], vector<16xf32>,
      %parallel_loop3A_132 = arith.constant 42 : i32
      %parallel_loop3A_133 = arith.index_cast %parallel_loop3A_132 : i32 to index
      %parallel_loop3A_134 = arith.index_cast %parallel_loop3A_57 : i32 to index
      %parallel_loop3A_135 = tpu.vector_load %arg4[%parallel_loop3A_133, %parallel_loop3A_134] {strides = array<i32>} : memref<50x512xi32, #tpu.memory_space<vmem>>, vector<16xi32>,
      tpu.vector_store_idx %arg5[%parallel_loop3A_135, %parallel_loop3A_59], %broadcast_in_dim3A_33 {add = true} : memref<12x512xf32, #tpu.memory_space<vmem>>[vector<16xi32>, vector<16xi32>], vector<16xf32>,
      %parallel_loop3A_136 = arith.constant 43 : i32
      %parallel_loop3A_137 = arith.index_cast %parallel_loop3A_136 : i32 to index
      %parallel_loop3A_138 = arith.index_cast %parallel_loop3A_57 : i32 to index
      %parallel_loop3A_139 = tpu.vector_load %arg4[%parallel_loop3A_137, %parallel_loop3A_138] {strides = array<i32>} : memref<50x512xi32, #tpu.memory_space<vmem>>, vector<16xi32>,
      tpu.vector_store_idx %arg5[%parallel_loop3A_139, %parallel_loop3A_59], %broadcast_in_dim3A_33 {add = true} : memref<12x512xf32, #tpu.memory_space<vmem>>[vector<16xi32>, vector<16xi32>], vector<16xf32>,
      %parallel_loop3A_140 = arith.constant 44 : i32
      %parallel_loop3A_141 = arith.index_cast %parallel_loop3A_140 : i32 to index
      %parallel_loop3A_142 = arith.index_cast %parallel_loop3A_57 : i32 to index
      %parallel_loop3A_143 = tpu.vector_load %arg4[%parallel_loop3A_141, %parallel_loop3A_142] {strides = array<i32>} : memref<50x512xi32, #tpu.memory_space<vmem>>, vector<16xi32>,
      tpu.vector_store_idx %arg5[%parallel_loop3A_143, %parallel_loop3A_59], %broadcast_in_dim3A_33 {add = true} : memref<12x512xf32, #tpu.memory_space<vmem>>[vector<16xi32>, vector<16xi32>], vector<16xf32>,
      %parallel_loop3A_144 = arith.constant 45 : i32
      %parallel_loop3A_145 = arith.index_cast %parallel_loop3A_144 : i32 to index
      %parallel_loop3A_146 = arith.index_cast %parallel_loop3A_57 : i32 to index
      %parallel_loop3A_147 = tpu.vector_load %arg4[%parallel_loop3A_145, %parallel_loop3A_146] {strides = array<i32>} : memref<50x512xi32, #tpu.memory_space<vmem>>, vector<16xi32>,
      tpu.vector_store_idx %arg5[%parallel_loop3A_147, %parallel_loop3A_59], %broadcast_in_dim3A_33 {add = true} : memref<12x512xf32, #tpu.memory_space<vmem>>[vector<16xi32>, vector<16xi32>], vector<16xf32>,
      %parallel_loop3A_148 = arith.constant 46 : i32
      %parallel_loop3A_149 = arith.index_cast %parallel_loop3A_148 : i32 to index
      %parallel_loop3A_150 = arith.index_cast %parallel_loop3A_57 : i32 to index
      %parallel_loop3A_151 = tpu.vector_load %arg4[%parallel_loop3A_149, %parallel_loop3A_150] {strides = array<i32>} : memref<50x512xi32, #tpu.memory_space<vmem>>, vector<16xi32>,
      tpu.vector_store_idx %arg5[%parallel_loop3A_151, %parallel_loop3A_59], %broadcast_in_dim3A_33 {add = true} : memref<12x512xf32, #tpu.memory_space<vmem>>[vector<16xi32>, vector<16xi32>], vector<16xf32>,
      %parallel_loop3A_152 = arith.constant 47 : i32
      %parallel_loop3A_153 = arith.index_cast %parallel_loop3A_152 : i32 to index
      %parallel_loop3A_154 = arith.index_cast %parallel_loop3A_57 : i32 to index
      %parallel_loop3A_155 = tpu.vector_load %arg4[%parallel_loop3A_153, %parallel_loop3A_154] {strides = array<i32>} : memref<50x512xi32, #tpu.memory_space<vmem>>, vector<16xi32>,
      tpu.vector_store_idx %arg5[%parallel_loop3A_155, %parallel_loop3A_59], %broadcast_in_dim3A_33 {add = true} : memref<12x512xf32, #tpu.memory_space<vmem>>[vector<16xi32>, vector<16xi32>], vector<16xf32>,
      %parallel_loop3A_156 = arith.constant 48 : i32
      %parallel_loop3A_157 = arith.index_cast %parallel_loop3A_156 : i32 to index
      %parallel_loop3A_158 = arith.index_cast %parallel_loop3A_57 : i32 to index
      %parallel_loop3A_159 = tpu.vector_load %arg4[%parallel_loop3A_157, %parallel_loop3A_158] {strides = array<i32>} : memref<50x512xi32, #tpu.memory_space<vmem>>, vector<16xi32>,
      tpu.vector_store_idx %arg5[%parallel_loop3A_159, %parallel_loop3A_59], %broadcast_in_dim3A_33 {add = true} : memref<12x512xf32, #tpu.memory_space<vmem>>[vector<16xi32>, vector<16xi32>], vector<16xf32>,
      %parallel_loop3A_160 = arith.constant 49 : i32
      %parallel_loop3A_161 = arith.index_cast %parallel_loop3A_160 : i32 to index
      %parallel_loop3A_162 = arith.index_cast %parallel_loop3A_57 : i32 to index
      %parallel_loop3A_163 = tpu.vector_load %arg4[%parallel_loop3A_161, %parallel_loop3A_162] {strides = array<i32>} : memref<50x512xi32, #tpu.memory_space<vmem>>, vector<16xi32>,
      tpu.vector_store_idx %arg5[%parallel_loop3A_163, %parallel_loop3A_59], %broadcast_in_dim3A_33 {add = true} : memref<12x512xf32, #tpu.memory_space<vmem>>[vector<16xi32>, vector<16xi32>], vector<16xf32>,
    } {sc.loop_unroll_factor = 4 : i64, sc.parallel_access}
    %dma_start3A_49 = arith.constant 0 : i32
    %dma_start3A_50 = tpu.memref_slice %arg3[%dma_start3A_49, %mul3A_2] : memref<12x16384xf32, #tpu.memory_space<hbm>> -> memref<12x512xf32, #tpu.memory_space<hbm>>
    %dma_start3A_51 = arith.constant 0 : i32
    %dma_start3A_52 = tpu.memref_slice %arg3[%dma_start3A_51, %mul3A_2] : memref<12x16384xf32, #tpu.memory_space<hbm>> -> memref<12x512xf32, #tpu.memory_space<hbm>>
    tpu.enqueue_dma source(%arg5 : memref<12x512xf32, #tpu.memory_space<vmem>>) target(%dma_start3A_52 : memref<12x512xf32, #tpu.memory_space<hbm>>) target_semaphore(%arg6 : memref<!tpu.dma_semaphore, #tpu.memory_space<semaphore_mem>>)
    %dma_wait3A_53 = arith.constant 0 : i32
    %dma_wait3A_54 = tpu.memref_slice %arg3[%dma_wait3A_53, %mul3A_2] : memref<12x16384xf32, #tpu.memory_space<hbm>> -> memref<12x512xf32, #tpu.memory_space<hbm>>
    %dma_wait3A_55 = arith.constant 0 : i32
    %dma_wait3A_56 = tpu.memref_slice %arg3[%dma_wait3A_55, %mul3A_2] : memref<12x16384xf32, #tpu.memory_space<hbm>> -> memref<12x512xf32, #tpu.memory_space<hbm>>
    tpu.wait_dma2 semaphore(%arg6 : memref<!tpu.dma_semaphore, #tpu.memory_space<semaphore_mem>>) src(%arg5 : memref<12x512xf32, #tpu.memory_space<vmem>>) dst(%dma_wait3A_56 : memref<12x512xf32, #tpu.memory_space<hbm>>)
    return
  }
}

</mosaic_0001>

<sc_bundles>
// kernel: _sc_hist.3.cloned.1.call-start
scs
__scs_entry_jumppad:
0x0: {  	(pc) =	sbr.rel $0x88, $3  }
0x1: {  	(tag) =	ssettag $0x0;
	lr =	simm.s32 $0x1  }
0x2: {  	[smem:$0x3FA0] =	sst lr;
	_ =	strace $0xD0000000  }
0x3: {  	_ = 	snop  }
0x4: {  	_ = 	snop  }
0x5: {  	_ = 	snop  }
0x6: {  	_ = 	snop  }
0x7: {  	_ = 	snop  }
__scs_overlays_trampoline_lowered:
0x8: {  	[smem:$0x3FAF] =	sst s0  }
0x9: {  	[smem:$0x3FB0] =	sst s1  }
0xa: {  	[smem:$0x3FB1] =	sst s2  }
0xb: {  	[smem:$0x3FB2] =	sst s3  }
0xc: {  	[smem:$0x3FB3] =	sst s4  }
0xd: {  	[smem:$0x3FB4] =	sst s5  }
0xe: {  	[smem:$0x3FB5] =	sst s6  }
0xf: {  	[smem:$0x3FB6] =	sst s7  }
0x10: {  	[smem:$0x3FB7] =	sst s8  }
0x11: {  	[smem:$0x3FB8] =	sst s9;
	s0 =	simm.s32 @!p0 $0x0  }
0x12: {  	s1 =	sld [smem:$0x3F9E];
	s0 =	simm.s32 @p0 $0x1  }
0x13: {  	[smem:$0x3FB9] =	sst s0;
	s0 =	simm.s32 @!p1 $0x0  }
0x14: {  	s2 =	sld [smem:$0x3F9D];
	s0 =	simm.s32 @p1 $0x1  }
0x15: {  	[smem:$0x3FBA] =	sst s0;
	s0 =	simm.s32 @!p2 $0x0  }
0x16: {  	s3 =	sld [smem:$0x3FDB];
	s0 =	simm.s32 @p2 $0x1  }
0x17: {  	s4 =	simm.s32 $0x1BF5;
	[smem:$0x3FBC] =	sst s0  }
0x18: {  	s0 =	sld [smem:$0x3F9F];
	_ =	swait.ge [sflag:s4], $0x0  }
0x19: {  	s7 =	sld [smem:$0x3FA0]  }
0x1a: {  	s8 =	sadd.s32 $0xFFFFE003, lr  }
0x1b: {  	s9 =	sadd.s32 $0xFFFFFEF7, lr;
	s5 =	simm.s32 $0xFFFFFFFF;
	p2 =	slt.u32 s8, $0xFFFFF086  }
0x1c: {  	p1 =	slt.u32 s9, $0xF7A;
	s5 =	simm.s32 @!p2 $0x0  }
0x1d: {  	s5 =	simm.s32 @p1 $0x1;
	p0 =	seq.s32 s7, s2  }
0x1e: {  	s7 =	smul.u32 @!p0 $0xF7A, s2;
	p2 =	seq.s32 @!p0 s5, $0x0  }
0x1f: {  	s9 =	smul.u32 $0xF7A, s1;
	s8 =	simm.s32 @!p0 $0x1BF5;
	p2 =	por !p2, p0  }
0x20: {  	[sflag:s8] =	ssyncset.s32 @!p0 $0xFFFFF086;
	s6 =	sadd.s32 @!p0 s3, s7;
	s7 =	simm.s32 @!p0 $0x108  }
0x21: {  	s3 =	sadd.s32 s3, s9;
	s6 =	sadd.s32 @!p0 $0x88, s6;
	s7 =	simm.s32 @p2 $0x1082  }
0x22: {  	[simem:s7], [sflag:s8] =	dma.local @!p0 [hbm:s6], $0xF7A  }
0x23: {  	s9 =	sor.u32 $0xD0000000, s2;
	s6 =	simm.s32 $0x108;
	_ =	swait.ge @!p0 [sflag:s8], $0x0  }
0x24: {  	s3 =	sadd.s32 $0x88, s3;
	s6 =	simm.s32 @!p1 $0x1082;
	[sflag:s4] =	ssyncset.s32 $0xFFFFF086  }
0x25: {  	[simem:s6], [sflag:s4] =	dma.local [hbm:s3], $0xF7A  }
0x26: {  	[smem:$0x3FA0] =	sst s1;
	(tag) =	ssettag s2;
	_ =	strace s9  }
0x27: {  	s1 =	sld [smem:$0x3FB0]  }
0x28: {  	s2 =	sld [smem:$0x3FB1]  }
0x29: {  	s4 =	sld [smem:$0x3FB3]  }
0x2a: {  	p0 =	seq.s32 s5, $0x0;
	s5 =	sld [smem:$0x3FB4]  }
0x2b: {  	s6 =	sld [smem:$0x3FB5]  }
0x2c: {  	s7 =	sld [smem:$0x3FB6]  }
0x2d: {  	s3 =	simm.s32 $0x108;
	s8 =	sld [smem:$0x3FB7]  }
0x2e: {  	s3 =	simm.s32 @!p0 $0x1082;
	s9 =	sld [smem:$0x3FB8]  }
0x2f: {  	lr =	sadd.s32 s0, s3;
	s0 =	sld [smem:$0x3FAF]  }
0x30: {  	s3 =	sld [smem:$0x3FB2]  }
0x31: {  	[smem:$0x3FBB] =	sst s10  }
0x32: {  	s10 =	sld [smem:$0x3FB9];
	_ =	sdelay $0x3  }
0x33: {  	p0 =	seq.s32 s10, $0x1;
	s10 =	sld [smem:$0x3FBB];
	_ =	sdelay $0x3  }
0x34: {  	[smem:$0x3FBB] =	sst s10  }
0x35: {  	s10 =	sld [smem:$0x3FBA];
	_ =	sdelay $0x3  }
0x36: {  	p1 =	seq.s32 s10, $0x1;
	s10 =	sld [smem:$0x3FBB];
	_ =	sdelay $0x3  }
0x37: {  	[smem:$0x3FBB] =	sst s10  }
0x38: {  	s10 =	sld [smem:$0x3FBC]  }
0x39: {  	_ = 	snop;
	(pc) =	sbr.ind lr, $3  }
0x3a: {  	_ = 	snop  }
0x3b: {  	_ = 	snop  }
0x3c: {  	p2 =	seq.s32 s10, $0x1;
	s10 =	sld [smem:$0x3FBB]  }
0x3d: {  	_ =	shalt  }
0x3e: {  	_ =	shalt  }
0x3f: {  	_ =	shalt  }
0x40: {  	_ =	shalt  }
0x41: {  	_ =	shalt  }
0x42: {  	_ =	shalt  }
0x43: {  	_ =	shalt  }
0x44: {  	_ =	shalt  }
0x45: {  	_ =	shalt  }
0x46: {  	_ =	shalt  }
0x47: {  	_ =	shalt  }
0x48: {  	_ =	shalt  }
0x49: {  	_ =	shalt  }
0x4a: {  	_ =	shalt  }
0x4b: {  	_ =	shalt  }
0x4c: {  	_ =	shalt  }
0x4d: {  	_ =	shalt  }
0x4e: {  	_ =	shalt  }
0x4f: {  	_ =	shalt  }
0x50: {  	_ =	shalt  }
0x51: {  	_ =	shalt  }
0x52: {  	_ =	shalt  }
0x53: {  	_ =	shalt  }
0x54: {  	_ =	shalt  }
0x55: {  	_ =	shalt  }
0x56: {  	_ =	shalt  }
0x57: {  	_ =	shalt  }
0x58: {  	_ =	shalt  }
0x59: {  	_ =	shalt  }
0x5a: {  	_ =	shalt  }
0x5b: {  	_ =	shalt  }
0x5c: {  	_ =	shalt  }
0x5d: {  	_ =	shalt  }
0x5e: {  	_ =	shalt  }
0x5f: {  	_ =	shalt  }
0x60: {  	_ =	shalt  }
0x61: {  	_ =	shalt  }
0x62: {  	_ =	shalt  }
0x63: {  	_ =	shalt  }
0x64: {  	_ =	shalt  }
0x65: {  	_ =	shalt  }
0x66: {  	_ =	shalt  }
0x67: {  	_ =	shalt  }
0x68: {  	_ =	shalt  }
0x69: {  	_ =	shalt  }
0x6a: {  	_ =	shalt  }
0x6b: {  	_ =	shalt  }
0x6c: {  	_ =	shalt  }
0x6d: {  	_ =	shalt  }
0x6e: {  	_ =	shalt  }
0x6f: {  	_ =	shalt  }
0x70: {  	_ =	shalt  }
0x71: {  	_ =	shalt  }
0x72: {  	_ =	shalt  }
0x73: {  	_ =	shalt  }
0x74: {  	_ =	shalt  }
0x75: {  	_ =	shalt  }
0x76: {  	_ =	shalt  }
0x77: {  	_ =	shalt  }
0x78: {  	_ =	shalt  }
0x79: {  	_ =	shalt  }
0x7a: {  	_ =	shalt  }
0x7b: {  	_ =	shalt  }
0x7c: {  	_ =	shalt  }
0x7d: {  	_ =	shalt  }
0x7e: {  	_ =	shalt  }
0x7f: {  	_ =	shalt  }
0x80: {  	_ =	shalt  }
0x81: {  	_ =	shalt  }
0x82: {  	_ =	shalt  }
0x83: {  	_ =	shalt  }
0x84: {  	_ =	shalt  }
0x85: {  	_ =	shalt  }
0x86: {  	_ =	shalt  }
0x87: {  	_ =	shalt  }
.Lfunc_end0:
.L_simem_size_0:
called_computation_lowered:
.L_overlay_start_0:
0x88: {  	s2 =	sld [smem:$0x3FD9]  }
0x89: {  	s3 =	sld [smem:$0x3FFE];
	_ =	sdelay $0x1  }
0x8a: {  	s1 =	srdreg.scid  }
0x8b: {  	s0 =	sand.u32 $0x1, s1  }
0x8c: {  	s18 =	sshll.u32 s0, $0xA;
	s2 =	sadd.s32 s3, s2  }
0x8d: {  	s2 =	sadd.s32 s2, s18  }
0x8e: {  	[smem:$0x3FC7] =	sst s2  }
0x8f: {  	_ = 	snop  }
0x90: {  	s2 =	sld [smem:$0x3FC9]  }
0x91: {  	s19 =	sld [smem:$0x3FD0];
	(tm) =	ssettm $0x1  }
0x92: {  	s4 =	sld [smem:$0x3FFB];
	_ =	sdelay $0x3  }
0x93: {  	_ =	strace s4  }
0x94: {  	s4 =	sld [smem:$0x3FFC];
	_ =	sdelay $0x3  }
0x95: {  	_ =	strace s4  }
0x96: {  	s4 =	sld [smem:$0x3FFD];
	_ =	sdelay $0x3  }
0x97: {  	_ =	strace s4  }
0x98: {  	_ =	strace $0x8FFFFFFF  }
0x99: {  	s20 =	sld [smem:$0x3FDB];
	_ =	sdelay $0x1  }
0x9a: {  	s5 =	simm.s32 $_scs_section_size  }
0x9b: {  	s6 =	simm.s32 $_size__tile_overlayer_lowered;
	s7 =	simm.s32 $_tile_overlayer_lowered  }
0x9c: {  	s23 =	simm.s32 $0x1BFF;
	s22 =	sshll.u32 s7, $0x1;
	s4 =	sadd.s32 s5, s20  }
0x9d: {  	s8 =	simm.s32 $0x0;
	s21 =	sshll.u32 s6, $0x1;
	s6 =	sadd.s32 s22, s4  }
0x9e: {  	[timem:s8], [sflag:s23] =	dma.local [hbm:s6], s21  }
0x9f: {  	_ =	swait.ge [sflag:s23], s21  }
0xa0: {  	s5 =	ssub.s32 $0x0, s21;
	[sflag:s23] =	ssyncset.done $0x0  }
0xa1: {  	[sflag:s23] =	ssyncadd.s32 s5;
	_ =	sdelay $0x1  }
0xa2: {  	s24 =	simm.s32 $0x1B8B  }
0xa3: {  	_ =	swait.ge [sflag:s24], $0x1  }
0xa4: {  	[sflag:s24] =	ssyncset.done $0x0  }
0xa5: {  	s25 =	simm.s32 $0x1B8E;
	[sflag:s24] =	ssyncadd.s32 $0xFFFFFFFF  }
0xa6: {  	s26 =	simm.s32 $execute0_lowered;
	[smem:$0x3FD2] =	sst s25  }
0xa7: {  	s5 =	sshll.u32 s26, $0x1;
	_ =	strace $0x80000046;
	[dreg:$0x1] =	wrdreg $0xFFFFFFFF  }
0xa8: {  	s28 =	simm.s32 $_size_execute0_lowered;
	s4 =	sadd.s32 s4, s5;
	[dreg:$0x0] =	wrdreg $0x0  }
0xa9: {  	s5 =	sshll.u32 s28, $0x1;
	[dreg:$0x2] =	wrdreg s4  }
0xaa: {  	[dreg:$0x3] =	wrdreg s5  }
0xab: {  	[dreg:$0x4] =	wrdreg $0xC0  }
0xac: {  	_ =	task [dreg:s8], $0x5FFFF  }
0xad: {  	[dreg:$0x1] =	wrdreg $0xFFFFFFFF  }
0xae: {  	[dreg:$0x0] =	wrdreg $0x60  }
0xaf: {  	[dreg:$0x2] =	wrdreg s2  }
0xb0: {  	[dreg:$0x3] =	wrdreg s19  }
0xb1: {  	[dreg:$0x4] =	wrdreg $0x9  }
0xb2: {  	_ =	task.clear_ibuf [dreg:s8], $0x5FFFF;
	_ =	strace $0x90000046  }
0xb3: {  	s29 =	simm.s32 $0x9;
	_ =	strace $0x80000048  }
0xb4: {  	_ =	swait.ge [sflag:s29], $0x1  }
0xb5: {  	[sflag:s29] =	ssyncadd.s32 $0xFFFFFFFF  }
0xb6: {  	_ =	strace $0x90000048  }
0xb7: {  	_ =	sfence  }
0xb8: {  	s30 =	sld [smem:$0x0];
	_ =	sdelay $0x2  }
0xb9: {  	s31 =	sshll.u32 s1, $0xD;
	s1 =	sshrl.u32 s1, $0x2  }
0xba: {  	s3 =	sand.u32 $0x4000, s31;
	s1 =	sadd.s32 s1, s30  }
0xbb: {  	s0 =	sor.u32 s3, s0;
	s1 =	sshll.u32 s1, $0x11  }
0xbc: {  	s0 =	sor.u32 s1, s0  }
0xbd: {  	s0 =	sadd.s32 $0x8F2B, s0  }
0xbe: {  	[sflag:s0] =	ssyncadd.remote.s32 $0x1  }
0xbf: {  	_ =	sfence.sel $0xFFFF  }
0xc0: {  	[dreg:$0x0] =	wrdreg $0xFFFFFFFF;
	(pc) =	sbr.abs _section_cstart, $3  }
0xc1: {  	[dreg:$0x1] =	wrdreg $0xFFFFFFFF  }
0xc2: {  	_ =	task.clear_ibuf [dreg:s8], $0x2FFFF;
	_ =	strace $0x9FFFFFFF  }
0xc3: {  	(tm) =	ssettm $0x7FFFFFFF  }
tec
execute0_lowered:
.L_overlay_start_1:
0x0: {  	(tag) =	ssettag $0x1  }
0x1: {  	s0 =	rddreg [dreg:$0x0]  }
0x2: {  	s1 =	srdreg.scid;
	s2 =	rddreg [dreg:$0x1]  }
0x3: {  	s3 =	stileid.u32;
	s5 =	simm.s32 $0x0;
	s1 =	sand.u32 $0x1, s1  }
0x4: {  	s11 =	simm.s32 $0x7000;
	s3 =	sshll.u32 s3, $0xA;
	s4 =	sshll.u32 s1, $0x9  }
0x5: {  	[smem:$0x7FF] =	sst s5;
	s1 =	ssub.s32 $0x2, s1;
	s3 =	sor.u32 s4, s3  }
0x6: {  	_ =	strace $0x80000047;
	s26 =	sshrl.u32 s1, $0x1;
	s28 =	sadd.s32 s0, s3  }
0x7: {  	s4 =	simm.s32 $0x1;
	s31 =	sadd.s32 s2, s3;
	[dreg:$0x3] =	wrdreg s28  }
0x8: {  	s29 =	ssub.s32 s1, s26;
	s30 =	sadd.s32 $0xC000, s28;
	[dreg:$0x5] =	wrdreg s31  }
0x9: {  	s2 =	simm.s32 $0x1000;
	s0 =	smax.u32 s29, $0x1;
	[dreg:$0x4] =	wrdreg s30  }
0xa: {  	v0 =	vimm.f32 $0.0e+00;
	v1 =	vlaneseq.u32;
	v2 =	vimm.f32 $1.000000000e+00;
	s3 =	simm.s32 $0x20000;
	s1 =	simm.s32 $0x0;
	[dreg:$0x6] =	wrdreg s0  }
.LBB2_1:
0xb: {  	[dreg:$0x7] =	wrdreg s1  }
0xc: {  	s0 =	simm.s32 $0x0;
	s29 =	rddreg [dreg:$0x3]  }
0xd: {  	[tilespmem:s0], [sflag:$0x1] =	stream.strided.gather [hbm4b:s29+s2], $0x3000, s3, s2, $0x38;
	[tilespmem:$0x9000] =	vst v63  }
0xe: {  	s30 =	rddreg [dreg:$0x4];
	s31 =	simm.s32 $0x3000  }
0xf: {  	[tilespmem:s31], [sflag:$0x2] =	stream.strided.gather [hbm4b:s30+s2], $0x4000, s3, s2, $0x38;
	[tilespmem:$0x9000] =	vst v63  }
0x10: {  	p0 =	por $0x0, $0x0;
	s1 =	simm.s32 $0x0;
	_ =	swait.ge [sflag:s4], $0x3000  }
0x11: {  	s6 =	simm.s32 $0x0;
	s0 =	simm.s32 $0x30;
	[sflag:s4] =	ssyncset.done $0x0  }
0x12: {  	s2 =	simm.s32 $0x0;
	[sflag:s4] =	ssyncadd.s32 $0xFFFFD000;
	s4 =	simm.s32 $0x0  }
.LBB2_2:
0x13: {  	s3 =	sadd.s32 $0xFFFFFFD0, s0  }
0x14: {  	[dreg:$0xa] =	wrdreg s4;
	s19 =	sand.u32 $0x40, s6;
	s20 =	sand.u32 $0xC00, s3  }
0x15: {  	[dreg:$0x8] =	wrdreg s0;
	s0 =	simm.s32 $0x1;
	s25 =	sor.u32 s19, s20  }
0x16: {  	s10 =	sand.u32 $0xFFFFFC00, s4;
	s18 =	sadd.s32 $0x10, s6;
	s0 =	simm.s32 @!p0 $0x0;
	[tilespmem:s25+$0x7000] =	vst v0  }
0x17: {  	s4 =	sadd.s32 s10, s6;
	s5 =	rddreg [dreg:$0xa];
	s0 =	sshll.u32 s0, $0x6;
	[tilespmem:s25+$0x7080] =	vst v0  }
0x18: {  	s28 =	sor.u32 s3, s6;
	s26 =	sor.u32 $0x180, s4;
	s0 =	sadd.s32 s0, s5;
	[tilespmem:s25+$0x7100] =	vst v0  }
0x19: {  	s21 =	sand.u32 $0x50, s18;
	[tilespmem:s26+$0x7000] =	vst v0;
	s12 =	sor.u32 $0x200, s0;
	s5 =	sor.u32 $0x280, s0  }
0x1a: {  	s24 =	sor.u32 $0x300, s0;
	s0 =	sor.u32 $0x380, s28;
	s28 =	sor.u32 s21, s20;
	[tilespmem:s12+$0x7000] =	vst v0  }
0x1b: {  	[tilespmem:s28+$0x7000] =	vst v0  }
0x1c: {  	[tilespmem:s28+$0x7080] =	vst v0  }
0x1d: {  	s31 =	sadd.s32 $0x10, s4;
	[tilespmem:s28+$0x7100] =	vst v0  }
0x1e: {  	s15 =	sor.u32 $0x180, s31;
	[tilespmem:s5+$0x7000] =	vst v0  }
0x1f: {  	[tilespmem:s15+$0x7000] =	vst v0  }
0x20: {  	[tilespmem:s24+$0x7000] =	vst v0  }
0x21: {  	s30 =	sand.u32 $0x7, s1;
	[tilespmem:s0+$0x7000] =	vst v0  }
0x22: {  	[dreg:$0xe] =	wrdreg s0;
	s0 =	sshll.u32 s30, $0x4;
	[tilespmem:s25+$0x8000] =	vst v0  }
0x23: {  	[tilespmem:s25+$0x8080] =	vst v0;
	s16 =	sadd.s32 s3, s0  }
0x24: {  	[dreg:$0x9] =	wrdreg s1;
	s29 =	sor.u32 $0x1180, s4;
	[tilespmem:s25+$0x8100] =	vst v0;
	s1 =	sadd.s32 $0x10, s16  }
0x25: {  	[dreg:$0x12] =	wrdreg s5;
	[tilespmem:s29+$0x7000] =	vst v0;
	s14 =	sor.u32 $0x200, s1  }
0x26: {  	s8 =	sor.u32 $0x280, s1;
	s5 =	sor.u32 $0x300, s1;
	s1 =	sadd.s32 $0x20, s6;
	[tilespmem:s14+$0x7000] =	vst v0  }
0x27: {  	s22 =	sand.u32 $0x60, s1;
	[tilespmem:s8+$0x7000] =	vst v0  }
0x28: {  	s30 =	sor.u32 s22, s20;
	[tilespmem:s5+$0x7000] =	vst v0  }
0x29: {  	s17 =	sand.u32 $0x3, s2;
	[tilespmem:s30+$0x7000] =	vst v0  }
0x2a: {  	s7 =	sor.u32 s18, s3;
	s0 =	sshll.u32 s17, $0x5;
	[tilespmem:s30+$0x7080] =	vst v0  }
0x2b: {  	s9 =	sor.u32 $0x380, s7;
	s0 =	sadd.s32 s3, s0;
	s17 =	sadd.s32 s10, s1;
	[tilespmem:s30+$0x7100] =	vst v0  }
0x2c: {  	s23 =	sadd.s32 $0x20, s0;
	s0 =	sor.u32 $0x180, s17;
	[tilespmem:s9+$0x7000] =	vst v0  }
0x2d: {  	[tilespmem:s0+$0x7000] =	vst v0  }
0x2e: {  	[tilespmem:s28+$0x8000] =	vst v0  }
0x2f: {  	[tilespmem:s28+$0x8080] =	vst v0  }
0x30: {  	[dreg:$0xb] =	wrdreg s29;
	s29 =	sor.u32 $0x200, s23;
	[tilespmem:s28+$0x8100] =	vst v0  }
0x31: {  	s13 =	sor.u32 $0x1180, s31;
	v4 =	vld [tilespmem:s25+$0x0];
	[tilespmem:s29+$0x7000] =	vst v0  }
0x32: {  	[dreg:$0xc] =	wrdreg s13;
	[tilespmem:s13+$0x7000] =	vst v0;
	s13 =	sor.u32 $0x280, s23  }
0x33: {  	[dreg:$0x10] =	wrdreg s24;
	s7 =	sor.u32 $0x300, s23;
	s24 =	sor.u32 s1, s3;
	[tilespmem:s13+$0x7000] =	vst v0  }
0x34: {  	s4 =	sor.u32 $0x380, s24;
	[tilespmem:s7+$0x7000] =	vst v0  }
0x35: {  	[tilespmem:s4+$0x7000] =	vst v0  }
0x36: {  	v12 =	vmov s6;
	v13 =	vshll.u32 v4, $0x9;
	v14 =	vshll.u32 v4, $0x7;
	[tilespmem:s30+$0x8000] =	vst v0  }
0x37: {  	v12 =	vshll.u32 v12, $0x3;
	[dreg:$0xf] =	wrdreg s9;
	s9 =	sadd.s32 $0x30, s6;
	v13 =	vand.u32 $0xFFFFF000, v13;
	v34 =	vand.u32 $0x380, v14;
	[tilespmem:s30+$0x8080] =	vst v0  }
0x38: {  	v3 =	vor.u32 s6, v1;
	s31 =	sor.u32 $0x1180, s17;
	v4 =	vand.u32 $0xC00, v12;
	s23 =	sand.u32 $0x70, s9;
	v12 =	vor.u32 v13, v34;
	[tilespmem:s30+$0x8100] =	vst v0  }
0x39: {  	v3 =	vand.u32 $0x4F, v3;
	[dreg:$0xd] =	wrdreg s31;
	v12 =	vor.u32 v4, v12;
	[tilespmem:s31+$0x7000] =	vst v0;
	s31 =	sor.u32 s23, s20  }
0x3a: {  	v12 =	vor.u32 v3, v12;
	[tilespmem:s31+$0x7000] =	vst v0  }
0x3b: {  	[dreg:$0x11] =	wrdreg s5;
	s10 =	sadd.s32 s10, s9;
	v6 =	vld [tilespmem:s28+$0x0];
	[tilespmem:s31+$0x7080] =	vst v0  }
0x3c: {  	s5 =	smov.u32 s2;
	s2 =	sadd.s32 $0x30, s16;
	s17 =	sor.u32 $0x180, s10;
	[tilespmem:s31+$0x7100] =	vst v0  }
0x3d: {  	s16 =	sor.u32 $0x200, s2;
	[tilespmem:s17+$0x7000] =	vst v0  }
0x3e: {  	[tilespmem:s16+$0x7000] =	vst v0  }
0x3f: {  	v5 =	vmov s18;
	s24 =	sor.u32 $0x280, s2;
	[tilespmem:v12+s11+$0x0] =	vst.idx.add.f32.msk $0xffff, v2  }
0x40: {  	v7 =	vor.u32 s18, v1;
	s18 =	sor.u32 $0x300, s2;
	s3 =	sor.u32 s9, s3;
	v35 =	vld [tilespmem:s30+$0x0];
	v36 =	vshll.u32 v6, $0x9;
	v6 =	vshll.u32 v6, $0x7;
	[tilespmem:s24+$0x7000] =	vst v0  }
0x41: {  	v5 =	vshll.u32 v5, $0x3;
	s3 =	sor.u32 $0x380, s3;
	v13 =	vand.u32 $0xFFFFF000, v36;
	v15 =	vand.u32 $0x380, v6;
	[tilespmem:s18+$0x7000] =	vst v0  }
0x42: {  	v6 =	vand.u32 $0xC00, v5;
	v13 =	vor.u32 v13, v15;
	[tilespmem:s3+$0x7000] =	vst v0  }
0x43: {  	v5 =	vand.u32 $0x5F, v7;
	v38 =	vor.u32 v6, v13;
	[tilespmem:s31+$0x8000] =	vst v0  }
0x44: {  	v8 =	vmov s1;
	v13 =	vor.u32 v5, v38;
	[tilespmem:s31+$0x8080] =	vst v0  }
0x45: {  	v9 =	vor.u32 s1, v1;
	s1 =	sor.u32 $0x1180, s10;
	v39 =	vshll.u32 v35, $0x9;
	v14 =	vshll.u32 v35, $0x7;
	[tilespmem:s31+$0x8100] =	vst v0  }
0x46: {  	v8 =	vshll.u32 v8, $0x3;
	v43 =	vld [tilespmem:s25+$0x80];
	v16 =	vand.u32 $0xFFFFF000, v39;
	v14 =	vand.u32 $0x380, v14;
	[tilespmem:s1+$0x7000] =	vst v0  }
0x47: {  	v8 =	vand.u32 $0xC00, v8;
	v40 =	vor.u32 v16, v14;
	v37 =	vld [tilespmem:s31+$0x0]  }
0x48: {  	v7 =	vand.u32 $0x6F, v9;
	v9 =	vor.u32 v8, v40  }
0x49: {  	v42 =	vor.u32 v7, v9;
	[tilespmem:v13+s11+$0x0] =	vst.idx.add.f32.msk $0xffff, v2  }
0x4a: {  	v10 =	vmov s9;
	v13 =	vld [tilespmem:s28+$0x80]  }
0x4b: {  	v11 =	vor.u32 s9, v1;
	v10 =	vshll.u32 v10, $0x3  }
0x4c: {  	v45 =	vshll.u32 v43, $0x9;
	v41 =	vshll.u32 v37, $0x9;
	v15 =	vshll.u32 v37, $0x7  }
0x4d: {  	v46 =	vshll.u32 v43, $0x7;
	v14 =	vand.u32 $0xFFFFF000, v41;
	v15 =	vand.u32 $0x380, v15  }
0x4e: {  	v9 =	vand.u32 $0xC00, v10;
	v10 =	vand.u32 $0x7F, v11;
	[tilespmem:v42+s11+$0x0] =	vst.idx.add.f32.msk $0xffff, v2;
	v14 =	vor.u32 v14, v15  }
0x4f: {  	v12 =	vand.u32 $0xFFFFF000, v45;
	v47 =	vld [tilespmem:s30+$0x80];
	v49 =	vshll.u32 v13, $0x9;
	v44 =	vor.u32 v9, v14  }
0x50: {  	v13 =	vshll.u32 v13, $0x7;
	v14 =	vand.u32 $0x380, v46;
	v11 =	vor.u32 v10, v44  }
0x51: {  	v13 =	vand.u32 $0x380, v13;
	v48 =	vor.u32 v12, v14;
	v12 =	vand.u32 $0xFFFFF000, v49  }
0x52: {  	v12 =	vor.u32 v12, v13  }
0x53: {  	v12 =	vor.u32 v6, v12  }
0x54: {  	v51 =	vshll.u32 v47, $0x9;
	v15 =	vshll.u32 v47, $0x7;
	v12 =	vor.u32 v5, v12  }
0x55: {  	v13 =	vand.u32 $0xFFFFF000, v51;
	v15 =	vand.u32 $0x380, v15;
	[tilespmem:v11+s11+$0x0] =	vst.idx.add.f32.msk $0xffff, v2;
	v11 =	vor.u32 v4, v48  }
0x56: {  	v13 =	vor.u32 v13, v15;
	v11 =	vor.u32 v3, v11  }
0x57: {  	v50 =	vld [tilespmem:s31+$0x80];
	v13 =	vor.u32 v8, v13  }
0x58: {  	v53 =	vor.u32 v7, v13  }
0x59: {  	[tilespmem:v12+s11+$0x0] =	vst.idx.add.f32.msk $0xffff, v2  }
0x5a: {  	v57 =	vld [tilespmem:s28+$0x100]  }
0x5b: {  	[tilespmem:v11+s11+$0x0] =	vst.idx.add.f32.msk $0xffff, v2  }
0x5c: {  	v52 =	vshll.u32 v50, $0x9;
	v14 =	vshll.u32 v50, $0x7;
	v55 =	vld [tilespmem:s25+$0x100]  }
0x5d: {  	v15 =	vand.u32 $0xFFFFF000, v52;
	v14 =	vand.u32 $0x380, v14;
	[tilespmem:v53+s11+$0x0] =	vst.idx.add.f32.msk $0xffff, v2  }
0x5e: {  	v54 =	vor.u32 v15, v14;
	v59 =	vld [tilespmem:s30+$0x100]  }
0x5f: {  	v13 =	vor.u32 v9, v54;
	v60 =	vshll.u32 v57, $0x9  }
0x60: {  	v56 =	vor.u32 v10, v13;
	v13 =	vshll.u32 v57, $0x7;
	v12 =	vand.u32 $0xFFFFF000, v60  }
0x61: {  	v13 =	vand.u32 $0x380, v13;
	v58 =	vshll.u32 v55, $0x9;
	v14 =	vshll.u32 v55, $0x7  }
0x62: {  	v12 =	vor.u32 v12, v13;
	v11 =	vand.u32 $0xFFFFF000, v58;
	v14 =	vand.u32 $0x380, v14  }
0x63: {  	v12 =	vor.u32 v6, v12;
	v62 =	vshll.u32 v59, $0x9;
	v11 =	vor.u32 v11, v14  }
0x64: {  	v15 =	vshll.u32 v59, $0x7;
	v12 =	vor.u32 v5, v12;
	v11 =	vor.u32 v4, v11  }
0x65: {  	v13 =	vand.u32 $0xFFFFF000, v62;
	v15 =	vand.u32 $0x380, v15;
	v11 =	vor.u32 v3, v11  }
0x66: {  	[tilespmem:v56+s11+$0x0] =	vst.idx.add.f32.msk $0xffff, v2;
	v13 =	vor.u32 v13, v15  }
0x67: {  	v61 =	vld [tilespmem:s31+$0x100];
	v13 =	vor.u32 v8, v13  }
0x68: {  	v16 =	vor.u32 v7, v13  }
0x69: {  	[tilespmem:v12+s11+$0x0] =	vst.idx.add.f32.msk $0xffff, v2  }
0x6a: {  	[tilespmem:v11+s11+$0x0] =	vst.idx.add.f32.msk $0xffff, v2  }
0x6b: {  	v18 =	vld [tilespmem:s26+$0x0]  }
0x6c: {  	v20 =	vld [tilespmem:s15+$0x0];
	v63 =	vshll.u32 v61, $0x9;
	v14 =	vshll.u32 v61, $0x7  }
0x6d: {  	v15 =	vand.u32 $0xFFFFF000, v63;
	v14 =	vand.u32 $0x380, v14;
	[tilespmem:v16+s11+$0x0] =	vst.idx.add.f32.msk $0xffff, v2  }
0x6e: {  	v17 =	vor.u32 v15, v14;
	v11 =	vld [tilespmem:s0+$0x0]  }
0x6f: {  	v13 =	vor.u32 v9, v17  }
0x70: {  	v19 =	vor.u32 v10, v13;
	v21 =	vshll.u32 v18, $0x9;
	v14 =	vshll.u32 v18, $0x7  }
0x71: {  	v13 =	vshll.u32 v20, $0x7;
	v15 =	vand.u32 $0xFFFFF000, v21;
	v14 =	vand.u32 $0x380, v14  }
0x72: {  	v22 =	vshll.u32 v20, $0x9;
	v13 =	vand.u32 $0x380, v13;
	v14 =	vor.u32 v15, v14  }
0x73: {  	v23 =	vshll.u32 v11, $0x9;
	v15 =	vand.u32 $0xFFFFF000, v22;
	v14 =	vor.u32 v4, v14  }
0x74: {  	v11 =	vshll.u32 v11, $0x7;
	v13 =	vor.u32 v15, v13;
	v14 =	vor.u32 v3, v14  }
0x75: {  	v11 =	vand.u32 $0x380, v11;
	v15 =	vand.u32 $0xFFFFF000, v23;
	v13 =	vor.u32 v6, v13  }
0x76: {  	[tilespmem:v19+s11+$0x0] =	vst.idx.add.f32.msk $0xffff, v2;
	v11 =	vor.u32 v15, v11;
	v13 =	vor.u32 v5, v13  }
0x77: {  	v12 =	vld [tilespmem:s17+$0x0];
	v11 =	vor.u32 v8, v11  }
0x78: {  	v11 =	vor.u32 v7, v11  }
0x79: {  	[tilespmem:v14+s11+$0x0] =	vst.idx.add.f32.msk $0xffff, v2  }
0x7a: {  	v14 =	vld [tilespmem:s12+$0x0]  }
0x7b: {  	[tilespmem:v13+s11+$0x0] =	vst.idx.add.f32.msk $0xffff, v2  }
0x7c: {  	v24 =	vshll.u32 v12, $0x9;
	v12 =	vshll.u32 v12, $0x7;
	v13 =	vld [tilespmem:s14+$0x0]  }
0x7d: {  	v15 =	vand.u32 $0xFFFFF000, v24;
	v12 =	vand.u32 $0x380, v12;
	[tilespmem:v11+s11+$0x0] =	vst.idx.add.f32.msk $0xffff, v2  }
0x7e: {  	v12 =	vor.u32 v15, v12;
	v11 =	vld [tilespmem:s29+$0x0]  }
0x7f: {  	v12 =	vor.u32 v9, v12  }
0x80: {  	v12 =	vor.u32 v10, v12;
	v25 =	vshll.u32 v14, $0x9;
	v14 =	vshll.u32 v14, $0x7  }
0x81: {  	v15 =	vand.u32 $0xFFFFF000, v25;
	v14 =	vand.u32 $0x380, v14;
	v26 =	vshll.u32 v13, $0x9  }
0x82: {  	v13 =	vshll.u32 v13, $0x7;
	v14 =	vor.u32 v15, v14;
	v15 =	vand.u32 $0xFFFFF000, v26  }
0x83: {  	v13 =	vand.u32 $0x380, v13;
	v27 =	vshll.u32 v11, $0x9;
	v14 =	vor.u32 v4, v14  }
0x84: {  	v11 =	vshll.u32 v11, $0x7;
	v13 =	vor.u32 v15, v13;
	v14 =	vor.u32 v3, v14  }
0x85: {  	v15 =	vand.u32 $0xFFFFF000, v27;
	v11 =	vand.u32 $0x380, v11;
	v13 =	vor.u32 v6, v13  }
0x86: {  	[tilespmem:v12+s11+$0x0] =	vst.idx.add.f32.msk $0xffff, v2;
	v11 =	vor.u32 v15, v11;
	v13 =	vor.u32 v5, v13  }
0x87: {  	v12 =	vld [tilespmem:s16+$0x0];
	v11 =	vor.u32 v8, v11  }
0x88: {  	v11 =	vor.u32 v7, v11  }
0x89: {  	s2 =	rddreg [dreg:$0x12];
	[tilespmem:v14+s11+$0x0] =	vst.idx.add.f32.msk $0xffff, v2  }
0x8a: {  	v14 =	vld [tilespmem:s2+$0x0]  }
0x8b: {  	[tilespmem:v13+s11+$0x0] =	vst.idx.add.f32.msk $0xffff, v2  }
0x8c: {  	v28 =	vshll.u32 v12, $0x9;
	v12 =	vshll.u32 v12, $0x7;
	v13 =	vld [tilespmem:s8+$0x0]  }
0x8d: {  	v15 =	vand.u32 $0xFFFFF000, v28;
	v12 =	vand.u32 $0x380, v12;
	[tilespmem:v11+s11+$0x0] =	vst.idx.add.f32.msk $0xffff, v2  }
0x8e: {  	v12 =	vor.u32 v15, v12;
	v11 =	vld [tilespmem:s13+$0x0]  }
0x8f: {  	v12 =	vor.u32 v9, v12  }
0x90: {  	v12 =	vor.u32 v10, v12;
	v29 =	vshll.u32 v14, $0x9;
	v14 =	vshll.u32 v14, $0x7  }
0x91: {  	v15 =	vand.u32 $0xFFFFF000, v29;
	v14 =	vand.u32 $0x380, v14;
	v30 =	vshll.u32 v13, $0x9  }
0x92: {  	v13 =	vshll.u32 v13, $0x7;
	v14 =	vor.u32 v15, v14;
	v15 =	vand.u32 $0xFFFFF000, v30  }
0x93: {  	v13 =	vand.u32 $0x380, v13;
	v31 =	vshll.u32 v11, $0x9;
	v14 =	vor.u32 v4, v14  }
0x94: {  	v11 =	vshll.u32 v11, $0x7;
	v13 =	vor.u32 v15, v13;
	v14 =	vor.u32 v3, v14  }
0x95: {  	v15 =	vand.u32 $0xFFFFF000, v31;
	v11 =	vand.u32 $0x380, v11;
	v13 =	vor.u32 v6, v13  }
0x96: {  	[tilespmem:v12+s11+$0x0] =	vst.idx.add.f32.msk $0xffff, v2;
	v11 =	vor.u32 v15, v11;
	v13 =	vor.u32 v5, v13  }
0x97: {  	v12 =	vld [tilespmem:s24+$0x0];
	v11 =	vor.u32 v8, v11  }
0x98: {  	v11 =	vor.u32 v7, v11  }
0x99: {  	s8 =	rddreg [dreg:$0x10];
	[tilespmem:v14+s11+$0x0] =	vst.idx.add.f32.msk $0xffff, v2  }
0x9a: {  	v14 =	vld [tilespmem:s8+$0x0]  }
0x9b: {  	s9 =	rddreg [dreg:$0x11];
	[tilespmem:v13+s11+$0x0] =	vst.idx.add.f32.msk $0xffff, v2  }
0x9c: {  	v32 =	vshll.u32 v12, $0x9;
	v12 =	vshll.u32 v12, $0x7;
	v13 =	vld [tilespmem:s9+$0x0]  }
0x9d: {  	v15 =	vand.u32 $0xFFFFF000, v32;
	v12 =	vand.u32 $0x380, v12;
	[tilespmem:v11+s11+$0x0] =	vst.idx.add.f32.msk $0xffff, v2  }
0x9e: {  	v12 =	vor.u32 v15, v12;
	v11 =	vld [tilespmem:s7+$0x0]  }
0x9f: {  	v12 =	vor.u32 v9, v12  }
0xa0: {  	v12 =	vor.u32 v10, v12;
	v33 =	vshll.u32 v14, $0x9;
	v14 =	vshll.u32 v14, $0x7  }
0xa1: {  	v15 =	vand.u32 $0xFFFFF000, v33;
	v14 =	vand.u32 $0x380, v14;
	v34 =	vshll.u32 v13, $0x9  }
0xa2: {  	v13 =	vshll.u32 v13, $0x7;
	v14 =	vor.u32 v15, v14;
	v15 =	vand.u32 $0xFFFFF000, v34  }
0xa3: {  	v13 =	vand.u32 $0x380, v13;
	v35 =	vshll.u32 v11, $0x9;
	v14 =	vor.u32 v4, v14  }
0xa4: {  	v11 =	vshll.u32 v11, $0x7;
	v13 =	vor.u32 v15, v13;
	v14 =	vor.u32 v3, v14  }
0xa5: {  	[tilespmem:v12+s11+$0x0] =	vst.idx.add.f32.msk $0xffff, v2;
	v15 =	vand.u32 $0xFFFFF000, v35;
	v11 =	vand.u32 $0x380, v11;
	v13 =	vor.u32 v6, v13  }
0xa6: {  	v12 =	vld [tilespmem:s18+$0x0];
	v11 =	vor.u32 v15, v11;
	v13 =	vor.u32 v5, v13  }
0xa7: {  	v11 =	vor.u32 v8, v11  }
0xa8: {  	v11 =	vor.u32 v7, v11  }
0xa9: {  	s10 =	rddreg [dreg:$0xe];
	[tilespmem:v14+s11+$0x0] =	vst.idx.add.f32.msk $0xffff, v2  }
0xaa: {  	v14 =	vld [tilespmem:s10+$0x0]  }
0xab: {  	s12 =	rddreg [dreg:$0xf];
	v36 =	vshll.u32 v12, $0x9;
	v12 =	vshll.u32 v12, $0x7;
	[tilespmem:v13+s11+$0x0] =	vst.idx.add.f32.msk $0xffff, v2  }
0xac: {  	v15 =	vand.u32 $0xFFFFF000, v36;
	v12 =	vand.u32 $0x380, v12;
	v13 =	vld [tilespmem:s12+$0x0]  }
0xad: {  	v12 =	vor.u32 v15, v12;
	[tilespmem:v11+s11+$0x0] =	vst.idx.add.f32.msk $0xffff, v2  }
0xae: {  	v12 =	vor.u32 v9, v12;
	v11 =	vld [tilespmem:s4+$0x0]  }
0xaf: {  	v12 =	vor.u32 v10, v12  }
0xb0: {  	v37 =	vshll.u32 v14, $0x9;
	v14 =	vshll.u32 v14, $0x7  }
0xb1: {  	v15 =	vand.u32 $0xFFFFF000, v37;
	v14 =	vand.u32 $0x380, v14;
	v38 =	vshll.u32 v13, $0x9  }
0xb2: {  	v13 =	vshll.u32 v13, $0x7;
	v14 =	vor.u32 v15, v14;
	v15 =	vand.u32 $0xFFFFF000, v38  }
0xb3: {  	v13 =	vand.u32 $0x380, v13;
	v39 =	vshll.u32 v11, $0x9;
	v14 =	vor.u32 v4, v14  }
0xb4: {  	v11 =	vshll.u32 v11, $0x7;
	[tilespmem:v12+s11+$0x0] =	vst.idx.add.f32.msk $0xffff, v2;
	v13 =	vor.u32 v15, v13;
	v14 =	vor.u32 v3, v14  }
0xb5: {  	v15 =	vand.u32 $0xFFFFF000, v39;
	v11 =	vand.u32 $0x380, v11;
	v12 =	vld [tilespmem:s3+$0x0];
	v13 =	vor.u32 v6, v13  }
0xb6: {  	v11 =	vor.u32 v15, v11;
	v13 =	vor.u32 v5, v13  }
0xb7: {  	v11 =	vor.u32 v8, v11  }
0xb8: {  	v11 =	vor.u32 v7, v11  }
0xb9: {  	[tilespmem:v14+s11+$0x0] =	vst.idx.add.f32.msk $0xffff, v2  }
0xba: {  	v40 =	vshll.u32 v12, $0x9;
	v12 =	vshll.u32 v12, $0x7;
	v14 =	vld [tilespmem:s25+$0x1000]  }
0xbb: {  	v15 =	vand.u32 $0xFFFFF000, v40;
	v12 =	vand.u32 $0x380, v12;
	[tilespmem:v13+s11+$0x0] =	vst.idx.add.f32.msk $0xffff, v2  }
0xbc: {  	v12 =	vor.u32 v15, v12;
	v13 =	vld [tilespmem:s28+$0x1000]  }
0xbd: {  	[tilespmem:v11+s11+$0x0] =	vst.idx.add.f32.msk $0xffff, v2;
	v12 =	vor.u32 v9, v12  }
0xbe: {  	v42 =	vld [tilespmem:s30+$0x1000];
	v12 =	vor.u32 v10, v12  }
0xbf: {  	v41 =	vshll.u32 v14, $0x9  }
0xc0: {  	v14 =	vshll.u32 v14, $0x7;
	v11 =	vand.u32 $0xFFFFF000, v41  }
0xc1: {  	v14 =	vand.u32 $0x380, v14;
	v43 =	vshll.u32 v13, $0x9;
	v13 =	vshll.u32 v13, $0x7  }
0xc2: {  	v11 =	vor.u32 v11, v14;
	v13 =	vand.u32 $0x380, v13  }
0xc3: {  	v45 =	vshll.u32 v42, $0x9;
	[tilespmem:v12+s11+$0x0] =	vst.idx.add.f32.msk $0xffff, v2;
	v11 =	vor.u32 v4, v11;
	v12 =	vand.u32 $0xFFFFF000, v43  }
0xc4: {  	v15 =	vshll.u32 v42, $0x7;
	v11 =	vor.u32 v3, v11;
	v12 =	vor.u32 v12, v13  }
0xc5: {  	v15 =	vand.u32 $0x380, v15;
	v13 =	vand.u32 $0xFFFFF000, v45;
	v12 =	vor.u32 v6, v12  }
0xc6: {  	v13 =	vor.u32 v13, v15;
	v12 =	vor.u32 v5, v12  }
0xc7: {  	v44 =	vld [tilespmem:s31+$0x1000];
	v13 =	vor.u32 v8, v13  }
0xc8: {  	v47 =	vor.u32 v7, v13  }
0xc9: {  	[tilespmem:v11+s11+$0x0] =	vst.idx.add.f32.msk $0xffff, v2  }
0xca: {  	v49 =	vld [tilespmem:s25+$0x1080]  }
0xcb: {  	[tilespmem:v12+s11+$0x0] =	vst.idx.add.f32.msk $0xffff, v2  }
0xcc: {  	v46 =	vshll.u32 v44, $0x9;
	v14 =	vshll.u32 v44, $0x7;
	v51 =	vld [tilespmem:s28+$0x1080]  }
0xcd: {  	v15 =	vand.u32 $0xFFFFF000, v46;
	v14 =	vand.u32 $0x380, v14;
	[tilespmem:v47+s11+$0x0] =	vst.idx.add.f32.msk $0xffff, v2  }
0xce: {  	v48 =	vor.u32 v15, v14;
	v53 =	vld [tilespmem:s30+$0x1080]  }
0xcf: {  	v13 =	vor.u32 v9, v48;
	v52 =	vshll.u32 v49, $0x9;
	v14 =	vshll.u32 v49, $0x7  }
0xd0: {  	v50 =	vor.u32 v10, v13;
	v11 =	vand.u32 $0xFFFFF000, v52;
	v14 =	vand.u32 $0x380, v14  }
0xd1: {  	v11 =	vor.u32 v11, v14  }
0xd2: {  	v54 =	vshll.u32 v51, $0x9;
	v13 =	vshll.u32 v51, $0x7;
	v11 =	vor.u32 v4, v11  }
0xd3: {  	v12 =	vand.u32 $0xFFFFF000, v54;
	v13 =	vand.u32 $0x380, v13;
	v56 =	vshll.u32 v53, $0x9  }
0xd4: {  	v15 =	vshll.u32 v53, $0x7;
	v11 =	vor.u32 v3, v11;
	v12 =	vor.u32 v12, v13  }
0xd5: {  	[tilespmem:v50+s11+$0x0] =	vst.idx.add.f32.msk $0xffff, v2;
	v13 =	vand.u32 $0xFFFFF000, v56;
	v15 =	vand.u32 $0x380, v15;
	v12 =	vor.u32 v6, v12  }
0xd6: {  	v55 =	vld [tilespmem:s31+$0x1080];
	v13 =	vor.u32 v13, v15;
	v12 =	vor.u32 v5, v12  }
0xd7: {  	v13 =	vor.u32 v8, v13  }
0xd8: {  	v58 =	vor.u32 v7, v13  }
0xd9: {  	[tilespmem:v11+s11+$0x0] =	vst.idx.add.f32.msk $0xffff, v2  }
0xda: {  	v60 =	vld [tilespmem:s25+$0x1100]  }
0xdb: {  	v57 =	vshll.u32 v55, $0x9;
	v14 =	vshll.u32 v55, $0x7;
	[tilespmem:v12+s11+$0x0] =	vst.idx.add.f32.msk $0xffff, v2  }
0xdc: {  	v15 =	vand.u32 $0xFFFFF000, v57;
	v14 =	vand.u32 $0x380, v14;
	v62 =	vld [tilespmem:s28+$0x1100]  }
0xdd: {  	v59 =	vor.u32 v15, v14;
	[tilespmem:v58+s11+$0x0] =	vst.idx.add.f32.msk $0xffff, v2  }
0xde: {  	v13 =	vor.u32 v9, v59;
	v11 =	vld [tilespmem:s30+$0x1100]  }
0xdf: {  	v61 =	vor.u32 v10, v13;
	v63 =	vshll.u32 v60, $0x9;
	v14 =	vshll.u32 v60, $0x7  }
0xe0: {  	v15 =	vand.u32 $0xFFFFF000, v63;
	v14 =	vand.u32 $0x380, v14  }
0xe1: {  	v14 =	vor.u32 v15, v14  }
0xe2: {  	v18 =	vshll.u32 v62, $0x9;
	v13 =	vshll.u32 v62, $0x7;
	v14 =	vor.u32 v4, v14  }
0xe3: {  	v15 =	vand.u32 $0xFFFFF000, v18;
	v13 =	vand.u32 $0x380, v13;
	v19 =	vshll.u32 v11, $0x9  }
0xe4: {  	[tilespmem:v61+s11+$0x0] =	vst.idx.add.f32.msk $0xffff, v2;
	v11 =	vshll.u32 v11, $0x7;
	v14 =	vor.u32 v3, v14;
	v13 =	vor.u32 v15, v13  }
0xe5: {  	v12 =	vld [tilespmem:s31+$0x1100];
	v15 =	vand.u32 $0xFFFFF000, v19;
	v11 =	vand.u32 $0x380, v11;
	v13 =	vor.u32 v6, v13  }
0xe6: {  	v11 =	vor.u32 v15, v11;
	v13 =	vor.u32 v5, v13  }
0xe7: {  	v11 =	vor.u32 v8, v11  }
0xe8: {  	v11 =	vor.u32 v7, v11  }
0xe9: {  	s13 =	rddreg [dreg:$0xb];
	[tilespmem:v14+s11+$0x0] =	vst.idx.add.f32.msk $0xffff, v2  }
0xea: {  	v20 =	vshll.u32 v12, $0x9;
	v12 =	vshll.u32 v12, $0x7;
	v14 =	vld [tilespmem:s13+$0x0]  }
0xeb: {  	s14 =	rddreg [dreg:$0xc];
	v15 =	vand.u32 $0xFFFFF000, v20;
	v12 =	vand.u32 $0x380, v12;
	[tilespmem:v13+s11+$0x0] =	vst.idx.add.f32.msk $0xffff, v2  }
0xec: {  	v12 =	vor.u32 v15, v12;
	v13 =	vld [tilespmem:s14+$0x0]  }
0xed: {  	s15 =	rddreg [dreg:$0xd];
	v12 =	vor.u32 v9, v12;
	[tilespmem:v11+s11+$0x0] =	vst.idx.add.f32.msk $0xffff, v2  }
0xee: {  	v12 =	vor.u32 v10, v12;
	v22 =	vld [tilespmem:s15+$0x0]  }
0xef: {  	v21 =	vshll.u32 v14, $0x9;
	v14 =	vshll.u32 v14, $0x7  }
0xf0: {  	v11 =	vand.u32 $0xFFFFF000, v21;
	v14 =	vand.u32 $0x380, v14  }
0xf1: {  	v11 =	vor.u32 v11, v14  }
0xf2: {  	v23 =	vshll.u32 v13, $0x9;
	v13 =	vshll.u32 v13, $0x7;
	v11 =	vor.u32 v4, v11  }
0xf3: {  	[tilespmem:v12+s11+$0x0] =	vst.idx.add.f32.msk $0xffff, v2;
	v12 =	vand.u32 $0xFFFFF000, v23;
	v13 =	vand.u32 $0x380, v13;
	v25 =	vshll.u32 v22, $0x9  }
0xf4: {  	v15 =	vshll.u32 v22, $0x7;
	v11 =	vor.u32 v3, v11;
	v12 =	vor.u32 v12, v13  }
0xf5: {  	v13 =	vand.u32 $0xFFFFF000, v25;
	v15 =	vand.u32 $0x380, v15;
	v12 =	vor.u32 v6, v12  }
0xf6: {  	v13 =	vor.u32 v13, v15;
	v12 =	vor.u32 v5, v12  }
0xf7: {  	v13 =	vor.u32 v8, v13  }
0xf8: {  	s16 =	sor.u32 $0x1200, s20;
	v24 =	vld [tilespmem:s1+$0x0];
	v27 =	vor.u32 v7, v13  }
0xf9: {  	s17 =	sor.u32 s19, s16;
	[tilespmem:v11+s11+$0x0] =	vst.idx.add.f32.msk $0xffff, v2  }
0xfa: {  	v29 =	vld [tilespmem:s17+$0x0]  }
0xfb: {  	s18 =	sor.u32 s21, s16;
	[tilespmem:v12+s11+$0x0] =	vst.idx.add.f32.msk $0xffff, v2  }
0xfc: {  	v31 =	vld [tilespmem:s18+$0x0]  }
0xfd: {  	s24 =	sor.u32 s22, s16;
	v26 =	vshll.u32 v24, $0x9;
	v14 =	vshll.u32 v24, $0x7;
	[tilespmem:v27+s11+$0x0] =	vst.idx.add.f32.msk $0xffff, v2  }
0xfe: {  	v15 =	vand.u32 $0xFFFFF000, v26;
	v14 =	vand.u32 $0x380, v14;
	v33 =	vld [tilespmem:s24+$0x0]  }
0xff: {  	v28 =	vor.u32 v15, v14;
	v32 =	vshll.u32 v29, $0x9;
	v14 =	vshll.u32 v29, $0x7  }
0x100: {  	v13 =	vor.u32 v9, v28;
	v11 =	vand.u32 $0xFFFFF000, v32;
	v14 =	vand.u32 $0x380, v14  }
0x101: {  	v30 =	vor.u32 v10, v13;
	v11 =	vor.u32 v11, v14  }
0x102: {  	v34 =	vshll.u32 v31, $0x9;
	v13 =	vshll.u32 v31, $0x7;
	v11 =	vor.u32 v4, v11  }
0x103: {  	v12 =	vand.u32 $0xFFFFF000, v34;
	v13 =	vand.u32 $0x380, v13;
	v36 =	vshll.u32 v33, $0x9  }
0x104: {  	v15 =	vshll.u32 v33, $0x7;
	v11 =	vor.u32 v3, v11;
	v12 =	vor.u32 v12, v13  }
0x105: {  	v13 =	vand.u32 $0xFFFFF000, v36;
	v15 =	vand.u32 $0x380, v15;
	v12 =	vor.u32 v6, v12  }
0x106: {  	v13 =	vor.u32 v13, v15;
	v12 =	vor.u32 v5, v12  }
0x107: {  	s0 =	sor.u32 s23, s16;
	[tilespmem:v30+s11+$0x0] =	vst.idx.add.f32.msk $0xffff, v2;
	v13 =	vor.u32 v8, v13  }
0x108: {  	s25 =	sor.u32 $0x1280, s20;
	v35 =	vld [tilespmem:s0+$0x0];
	v38 =	vor.u32 v7, v13  }
0x109: {  	s26 =	sor.u32 s19, s25;
	[tilespmem:v11+s11+$0x0] =	vst.idx.add.f32.msk $0xffff, v2  }
0x10a: {  	v40 =	vld [tilespmem:s26+$0x0]  }
0x10b: {  	s28 =	sor.u32 s21, s25;
	[tilespmem:v12+s11+$0x0] =	vst.idx.add.f32.msk $0xffff, v2  }
0x10c: {  	v42 =	vld [tilespmem:s28+$0x0]  }
0x10d: {  	s29 =	sor.u32 s22, s25;
	v37 =	vshll.u32 v35, $0x9;
	v14 =	vshll.u32 v35, $0x7;
	[tilespmem:v38+s11+$0x0] =	vst.idx.add.f32.msk $0xffff, v2  }
0x10e: {  	v15 =	vand.u32 $0xFFFFF000, v37;
	v14 =	vand.u32 $0x380, v14;
	v44 =	vld [tilespmem:s29+$0x0]  }
0x10f: {  	v39 =	vor.u32 v15, v14;
	v43 =	vshll.u32 v40, $0x9;
	v14 =	vshll.u32 v40, $0x7  }
0x110: {  	v13 =	vor.u32 v9, v39;
	v11 =	vand.u32 $0xFFFFF000, v43;
	v14 =	vand.u32 $0x380, v14  }
0x111: {  	v41 =	vor.u32 v10, v13;
	v11 =	vor.u32 v11, v14  }
0x112: {  	v45 =	vshll.u32 v42, $0x9;
	v13 =	vshll.u32 v42, $0x7;
	v11 =	vor.u32 v4, v11  }
0x113: {  	v12 =	vand.u32 $0xFFFFF000, v45;
	v13 =	vand.u32 $0x380, v13;
	v47 =	vshll.u32 v44, $0x9  }
0x114: {  	v15 =	vshll.u32 v44, $0x7;
	v11 =	vor.u32 v3, v11;
	v12 =	vor.u32 v12, v13  }
0x115: {  	v13 =	vand.u32 $0xFFFFF000, v47;
	v15 =	vand.u32 $0x380, v15;
	v12 =	vor.u32 v6, v12  }
0x116: {  	v13 =	vor.u32 v13, v15;
	v12 =	vor.u32 v5, v12  }
0x117: {  	s0 =	sor.u32 s23, s25;
	[tilespmem:v41+s11+$0x0] =	vst.idx.add.f32.msk $0xffff, v2;
	v13 =	vor.u32 v8, v13  }
0x118: {  	s30 =	sor.u32 $0x1300, s20;
	v46 =	vld [tilespmem:s0+$0x0];
	v49 =	vor.u32 v7, v13  }
0x119: {  	s31 =	sor.u32 s19, s30;
	[tilespmem:v11+s11+$0x0] =	vst.idx.add.f32.msk $0xffff, v2  }
0x11a: {  	v51 =	vld [tilespmem:s31+$0x0]  }
0x11b: {  	s2 =	sor.u32 s21, s30;
	[tilespmem:v12+s11+$0x0] =	vst.idx.add.f32.msk $0xffff, v2  }
0x11c: {  	v53 =	vld [tilespmem:s2+$0x0]  }
0x11d: {  	s3 =	sor.u32 s22, s30;
	v48 =	vshll.u32 v46, $0x9;
	v14 =	vshll.u32 v46, $0x7;
	[tilespmem:v49+s11+$0x0] =	vst.idx.add.f32.msk $0xffff, v2  }
0x11e: {  	v15 =	vand.u32 $0xFFFFF000, v48;
	v14 =	vand.u32 $0x380, v14;
	v55 =	vld [tilespmem:s3+$0x0]  }
0x11f: {  	v50 =	vor.u32 v15, v14;
	v54 =	vshll.u32 v51, $0x9;
	v14 =	vshll.u32 v51, $0x7  }
0x120: {  	v13 =	vor.u32 v9, v50;
	v11 =	vand.u32 $0xFFFFF000, v54;
	v14 =	vand.u32 $0x380, v14  }
0x121: {  	v52 =	vor.u32 v10, v13;
	v11 =	vor.u32 v11, v14  }
0x122: {  	v56 =	vshll.u32 v53, $0x9;
	v13 =	vshll.u32 v53, $0x7;
	v11 =	vor.u32 v4, v11  }
0x123: {  	v12 =	vand.u32 $0xFFFFF000, v56;
	v13 =	vand.u32 $0x380, v13;
	v58 =	vshll.u32 v55, $0x9  }
0x124: {  	v15 =	vshll.u32 v55, $0x7;
	v11 =	vor.u32 v3, v11;
	v12 =	vor.u32 v12, v13  }
0x125: {  	v13 =	vand.u32 $0xFFFFF000, v58;
	v15 =	vand.u32 $0x380, v15;
	v12 =	vor.u32 v6, v12  }
0x126: {  	v13 =	vor.u32 v13, v15;
	v12 =	vor.u32 v5, v12  }
0x127: {  	s0 =	sor.u32 s23, s30;
	[tilespmem:v52+s11+$0x0] =	vst.idx.add.f32.msk $0xffff, v2;
	v13 =	vor.u32 v8, v13  }
0x128: {  	s7 =	sor.u32 $0x1380, s20;
	v57 =	vld [tilespmem:s0+$0x0];
	v60 =	vor.u32 v7, v13  }
0x129: {  	s8 =	sor.u32 s19, s7;
	[tilespmem:v11+s11+$0x0] =	vst.idx.add.f32.msk $0xffff, v2  }
0x12a: {  	v62 =	vld [tilespmem:s8+$0x0]  }
0x12b: {  	s9 =	sor.u32 s21, s7;
	[tilespmem:v12+s11+$0x0] =	vst.idx.add.f32.msk $0xffff, v2  }
0x12c: {  	v18 =	vld [tilespmem:s9+$0x0]  }
0x12d: {  	s10 =	sor.u32 s22, s7;
	v59 =	vshll.u32 v57, $0x9;
	v14 =	vshll.u32 v57, $0x7;
	[tilespmem:v60+s11+$0x0] =	vst.idx.add.f32.msk $0xffff, v2  }
0x12e: {  	v15 =	vand.u32 $0xFFFFF000, v59;
	v14 =	vand.u32 $0x380, v14;
	v20 =	vld [tilespmem:s10+$0x0]  }
0x12f: {  	v61 =	vor.u32 v15, v14;
	v19 =	vshll.u32 v62, $0x9;
	v14 =	vshll.u32 v62, $0x7  }
0x130: {  	v13 =	vor.u32 v9, v61;
	v11 =	vand.u32 $0xFFFFF000, v19;
	v14 =	vand.u32 $0x380, v14  }
0x131: {  	v63 =	vor.u32 v10, v13;
	v11 =	vor.u32 v11, v14  }
0x132: {  	v21 =	vshll.u32 v18, $0x9;
	v13 =	vshll.u32 v18, $0x7;
	v11 =	vor.u32 v4, v11  }
0x133: {  	v12 =	vand.u32 $0xFFFFF000, v21;
	v13 =	vand.u32 $0x380, v13;
	v23 =	vshll.u32 v20, $0x9  }
0x134: {  	v15 =	vshll.u32 v20, $0x7;
	v11 =	vor.u32 v3, v11;
	v12 =	vor.u32 v12, v13  }
0x135: {  	v13 =	vand.u32 $0xFFFFF000, v23;
	v15 =	vand.u32 $0x380, v15;
	v12 =	vor.u32 v6, v12  }
0x136: {  	v13 =	vor.u32 v13, v15;
	v12 =	vor.u32 v5, v12  }
0x137: {  	s0 =	sor.u32 s23, s7;
	[tilespmem:v63+s11+$0x0] =	vst.idx.add.f32.msk $0xffff, v2;
	v13 =	vor.u32 v8, v13  }
0x138: {  	s12 =	sor.u32 $0x2000, s20;
	v22 =	vld [tilespmem:s0+$0x0];
	v25 =	vor.u32 v7, v13  }
0x139: {  	s13 =	sor.u32 s19, s12;
	[tilespmem:v11+s11+$0x0] =	vst.idx.add.f32.msk $0xffff, v2  }
0x13a: {  	v27 =	vld [tilespmem:s13+$0x0]  }
0x13b: {  	s14 =	sor.u32 s21, s12;
	[tilespmem:v12+s11+$0x0] =	vst.idx.add.f32.msk $0xffff, v2  }
0x13c: {  	v29 =	vld [tilespmem:s14+$0x0]  }
0x13d: {  	s15 =	sor.u32 s22, s12;
	v24 =	vshll.u32 v22, $0x9;
	v14 =	vshll.u32 v22, $0x7;
	[tilespmem:v25+s11+$0x0] =	vst.idx.add.f32.msk $0xffff, v2  }
0x13e: {  	v15 =	vand.u32 $0xFFFFF000, v24;
	v14 =	vand.u32 $0x380, v14;
	v31 =	vld [tilespmem:s15+$0x0]  }
0x13f: {  	v26 =	vor.u32 v15, v14;
	v30 =	vshll.u32 v27, $0x9;
	v14 =	vshll.u32 v27, $0x7  }
0x140: {  	v13 =	vor.u32 v9, v26;
	v11 =	vand.u32 $0xFFFFF000, v30;
	v14 =	vand.u32 $0x380, v14  }
0x141: {  	v28 =	vor.u32 v10, v13;
	v11 =	vor.u32 v11, v14  }
0x142: {  	v32 =	vshll.u32 v29, $0x9;
	v13 =	vshll.u32 v29, $0x7;
	v11 =	vor.u32 v4, v11  }
0x143: {  	v12 =	vand.u32 $0xFFFFF000, v32;
	v13 =	vand.u32 $0x380, v13;
	v34 =	vshll.u32 v31, $0x9  }
0x144: {  	v15 =	vshll.u32 v31, $0x7;
	v11 =	vor.u32 v3, v11;
	v12 =	vor.u32 v12, v13  }
0x145: {  	v13 =	vand.u32 $0xFFFFF000, v34;
	v15 =	vand.u32 $0x380, v15;
	v12 =	vor.u32 v6, v12  }
0x146: {  	s0 =	sor.u32 s23, s12;
	[tilespmem:v28+s11+$0x0] =	vst.idx.add.f32.msk $0xffff, v2;
	v13 =	vor.u32 v13, v15;
	v12 =	vor.u32 v5, v12  }
0x147: {  	v33 =	vld [tilespmem:s0+$0x0];
	v13 =	vor.u32 v8, v13  }
0x148: {  	s16 =	sor.u32 $0x2080, s20;
	v36 =	vor.u32 v7, v13  }
0x149: {  	s17 =	sor.u32 s19, s16;
	[tilespmem:v11+s11+$0x0] =	vst.idx.add.f32.msk $0xffff, v2  }
0x14a: {  	v38 =	vld [tilespmem:s17+$0x0]  }
0x14b: {  	s18 =	sor.u32 s21, s16;
	[tilespmem:v12+s11+$0x0] =	vst.idx.add.f32.msk $0xffff, v2  }
0x14c: {  	v35 =	vshll.u32 v33, $0x9;
	v14 =	vshll.u32 v33, $0x7;
	v40 =	vld [tilespmem:s18+$0x0]  }
0x14d: {  	s24 =	sor.u32 s22, s16;
	v15 =	vand.u32 $0xFFFFF000, v35;
	v14 =	vand.u32 $0x380, v14;
	[tilespmem:v36+s11+$0x0] =	vst.idx.add.f32.msk $0xffff, v2  }
0x14e: {  	v37 =	vor.u32 v15, v14;
	v42 =	vld [tilespmem:s24+$0x0]  }
0x14f: {  	v13 =	vor.u32 v9, v37;
	v41 =	vshll.u32 v38, $0x9;
	v14 =	vshll.u32 v38, $0x7  }
0x150: {  	v39 =	vor.u32 v10, v13;
	v11 =	vand.u32 $0xFFFFF000, v41;
	v14 =	vand.u32 $0x380, v14  }
0x151: {  	v11 =	vor.u32 v11, v14  }
0x152: {  	v43 =	vshll.u32 v40, $0x9;
	v13 =	vshll.u32 v40, $0x7;
	v11 =	vor.u32 v4, v11  }
0x153: {  	v12 =	vand.u32 $0xFFFFF000, v43;
	v13 =	vand.u32 $0x380, v13;
	v45 =	vshll.u32 v42, $0x9  }
0x154: {  	v15 =	vshll.u32 v42, $0x7;
	v11 =	vor.u32 v3, v11;
	v12 =	vor.u32 v12, v13  }
0x155: {  	s0 =	sor.u32 s23, s16;
	[tilespmem:v39+s11+$0x0] =	vst.idx.add.f32.msk $0xffff, v2;
	v13 =	vand.u32 $0xFFFFF000, v45;
	v15 =	vand.u32 $0x380, v15;
	v12 =	vor.u32 v6, v12  }
0x156: {  	v44 =	vld [tilespmem:s0+$0x0];
	v13 =	vor.u32 v13, v15;
	v12 =	vor.u32 v5, v12  }
0x157: {  	v13 =	vor.u32 v8, v13  }
0x158: {  	s25 =	sor.u32 $0x2100, s20;
	v47 =	vor.u32 v7, v13  }
0x159: {  	s26 =	sor.u32 s19, s25;
	[tilespmem:v11+s11+$0x0] =	vst.idx.add.f32.msk $0xffff, v2  }
0x15a: {  	v49 =	vld [tilespmem:s26+$0x0]  }
0x15b: {  	s28 =	sor.u32 s21, s25;
	v46 =	vshll.u32 v44, $0x9;
	v14 =	vshll.u32 v44, $0x7;
	[tilespmem:v12+s11+$0x0] =	vst.idx.add.f32.msk $0xffff, v2  }
0x15c: {  	v15 =	vand.u32 $0xFFFFF000, v46;
	v14 =	vand.u32 $0x380, v14;
	v51 =	vld [tilespmem:s28+$0x0]  }
0x15d: {  	s29 =	sor.u32 s22, s25;
	v48 =	vor.u32 v15, v14;
	[tilespmem:v47+s11+$0x0] =	vst.idx.add.f32.msk $0xffff, v2  }
0x15e: {  	v13 =	vor.u32 v9, v48;
	v53 =	vld [tilespmem:s29+$0x0]  }
0x15f: {  	v50 =	vor.u32 v10, v13;
	v52 =	vshll.u32 v49, $0x9;
	v14 =	vshll.u32 v49, $0x7  }
0x160: {  	v11 =	vand.u32 $0xFFFFF000, v52;
	v14 =	vand.u32 $0x380, v14  }
0x161: {  	v11 =	vor.u32 v11, v14  }
0x162: {  	v54 =	vshll.u32 v51, $0x9;
	v13 =	vshll.u32 v51, $0x7;
	v11 =	vor.u32 v4, v11  }
0x163: {  	v12 =	vand.u32 $0xFFFFF000, v54;
	v13 =	vand.u32 $0x380, v13;
	v56 =	vshll.u32 v53, $0x9  }
0x164: {  	s0 =	sor.u32 s23, s25;
	[tilespmem:v50+s11+$0x0] =	vst.idx.add.f32.msk $0xffff, v2;
	v15 =	vshll.u32 v53, $0x7;
	v11 =	vor.u32 v3, v11;
	v12 =	vor.u32 v12, v13  }
0x165: {  	v55 =	vld [tilespmem:s0+$0x0];
	v13 =	vand.u32 $0xFFFFF000, v56;
	v15 =	vand.u32 $0x380, v15;
	v12 =	vor.u32 v6, v12  }
0x166: {  	v13 =	vor.u32 v13, v15;
	v12 =	vor.u32 v5, v12  }
0x167: {  	v13 =	vor.u32 v8, v13  }
0x168: {  	s30 =	sor.u32 $0x2180, s20;
	v58 =	vor.u32 v7, v13  }
0x169: {  	s31 =	sor.u32 s19, s30;
	[tilespmem:v11+s11+$0x0] =	vst.idx.add.f32.msk $0xffff, v2  }
0x16a: {  	v57 =	vshll.u32 v55, $0x9;
	v14 =	vshll.u32 v55, $0x7;
	v60 =	vld [tilespmem:s31+$0x0]  }
0x16b: {  	s2 =	sor.u32 s21, s30;
	v15 =	vand.u32 $0xFFFFF000, v57;
	v14 =	vand.u32 $0x380, v14;
	[tilespmem:v12+s11+$0x0] =	vst.idx.add.f32.msk $0xffff, v2  }
0x16c: {  	v59 =	vor.u32 v15, v14;
	v62 =	vld [tilespmem:s2+$0x0]  }
0x16d: {  	s3 =	sor.u32 s22, s30;
	v13 =	vor.u32 v9, v59;
	[tilespmem:v58+s11+$0x0] =	vst.idx.add.f32.msk $0xffff, v2  }
0x16e: {  	v61 =	vor.u32 v10, v13;
	v18 =	vld [tilespmem:s3+$0x0]  }
0x16f: {  	v63 =	vshll.u32 v60, $0x9;
	v14 =	vshll.u32 v60, $0x7  }
0x170: {  	v11 =	vand.u32 $0xFFFFF000, v63;
	v14 =	vand.u32 $0x380, v14  }
0x171: {  	v11 =	vor.u32 v11, v14  }
0x172: {  	v19 =	vshll.u32 v62, $0x9;
	v13 =	vshll.u32 v62, $0x7;
	v11 =	vor.u32 v4, v11  }
0x173: {  	s0 =	sor.u32 s23, s30;
	[tilespmem:v61+s11+$0x0] =	vst.idx.add.f32.msk $0xffff, v2;
	v12 =	vand.u32 $0xFFFFF000, v19;
	v13 =	vand.u32 $0x380, v13;
	v21 =	vshll.u32 v18, $0x9  }
0x174: {  	v15 =	vshll.u32 v18, $0x7;
	v20 =	vld [tilespmem:s0+$0x0];
	v11 =	vor.u32 v3, v11;
	v12 =	vor.u32 v12, v13  }
0x175: {  	v13 =	vand.u32 $0xFFFFF000, v21;
	v15 =	vand.u32 $0x380, v15;
	v12 =	vor.u32 v6, v12  }
0x176: {  	v13 =	vor.u32 v13, v15;
	v12 =	vor.u32 v5, v12  }
0x177: {  	v13 =	vor.u32 v8, v13  }
0x178: {  	s7 =	sor.u32 $0x2200, s20;
	v23 =	vor.u32 v7, v13  }
0x179: {  	s8 =	sor.u32 s19, s7;
	v22 =	vshll.u32 v20, $0x9;
	v14 =	vshll.u32 v20, $0x7;
	[tilespmem:v11+s11+$0x0] =	vst.idx.add.f32.msk $0xffff, v2  }
0x17a: {  	v15 =	vand.u32 $0xFFFFF000, v22;
	v14 =	vand.u32 $0x380, v14;
	v25 =	vld [tilespmem:s8+$0x0]  }
0x17b: {  	s9 =	sor.u32 s21, s7;
	v24 =	vor.u32 v15, v14;
	[tilespmem:v12+s11+$0x0] =	vst.idx.add.f32.msk $0xffff, v2  }
0x17c: {  	v13 =	vor.u32 v9, v24;
	v27 =	vld [tilespmem:s9+$0x0]  }
0x17d: {  	s10 =	sor.u32 s22, s7;
	[tilespmem:v23+s11+$0x0] =	vst.idx.add.f32.msk $0xffff, v2;
	v26 =	vor.u32 v10, v13  }
0x17e: {  	v29 =	vld [tilespmem:s10+$0x0]  }
0x17f: {  	v28 =	vshll.u32 v25, $0x9;
	v14 =	vshll.u32 v25, $0x7  }
0x180: {  	v11 =	vand.u32 $0xFFFFF000, v28;
	v14 =	vand.u32 $0x380, v14  }
0x181: {  	v11 =	vor.u32 v11, v14  }
0x182: {  	s0 =	sor.u32 s23, s7;
	v30 =	vshll.u32 v27, $0x9;
	v13 =	vshll.u32 v27, $0x7;
	[tilespmem:v26+s11+$0x0] =	vst.idx.add.f32.msk $0xffff, v2;
	v11 =	vor.u32 v4, v11  }
0x183: {  	v12 =	vand.u32 $0xFFFFF000, v30;
	v13 =	vand.u32 $0x380, v13;
	v32 =	vshll.u32 v29, $0x9;
	v31 =	vld [tilespmem:s0+$0x0]  }
0x184: {  	v15 =	vshll.u32 v29, $0x7;
	v11 =	vor.u32 v3, v11;
	v12 =	vor.u32 v12, v13  }
0x185: {  	v13 =	vand.u32 $0xFFFFF000, v32;
	v15 =	vand.u32 $0x380, v15;
	v12 =	vor.u32 v6, v12  }
0x186: {  	v13 =	vor.u32 v13, v15;
	v12 =	vor.u32 v5, v12  }
0x187: {  	v13 =	vor.u32 v8, v13  }
0x188: {  	s12 =	sor.u32 $0x2280, s20;
	v34 =	vor.u32 v7, v13;
	v33 =	vshll.u32 v31, $0x9;
	v14 =	vshll.u32 v31, $0x7  }
0x189: {  	s13 =	sor.u32 s19, s12;
	[tilespmem:v11+s11+$0x0] =	vst.idx.add.f32.msk $0xffff, v2;
	v15 =	vand.u32 $0xFFFFF000, v33;
	v14 =	vand.u32 $0x380, v14  }
0x18a: {  	v36 =	vld [tilespmem:s13+$0x0];
	v35 =	vor.u32 v15, v14  }
0x18b: {  	s14 =	sor.u32 s21, s12;
	[tilespmem:v12+s11+$0x0] =	vst.idx.add.f32.msk $0xffff, v2;
	v13 =	vor.u32 v9, v35  }
0x18c: {  	v38 =	vld [tilespmem:s14+$0x0];
	v37 =	vor.u32 v10, v13  }
0x18d: {  	s15 =	sor.u32 s22, s12;
	[tilespmem:v34+s11+$0x0] =	vst.idx.add.f32.msk $0xffff, v2  }
0x18e: {  	v40 =	vld [tilespmem:s15+$0x0]  }
0x18f: {  	v39 =	vshll.u32 v36, $0x9;
	v14 =	vshll.u32 v36, $0x7  }
0x190: {  	v11 =	vand.u32 $0xFFFFF000, v39;
	v14 =	vand.u32 $0x380, v14  }
0x191: {  	s0 =	sor.u32 s23, s12;
	v11 =	vor.u32 v11, v14;
	[tilespmem:v37+s11+$0x0] =	vst.idx.add.f32.msk $0xffff, v2  }
0x192: {  	v41 =	vshll.u32 v38, $0x9;
	v13 =	vshll.u32 v38, $0x7;
	v11 =	vor.u32 v4, v11;
	v42 =	vld [tilespmem:s0+$0x0]  }
0x193: {  	v12 =	vand.u32 $0xFFFFF000, v41;
	v13 =	vand.u32 $0x380, v13;
	v43 =	vshll.u32 v40, $0x9  }
0x194: {  	v15 =	vshll.u32 v40, $0x7;
	v11 =	vor.u32 v3, v11;
	v12 =	vor.u32 v12, v13  }
0x195: {  	v13 =	vand.u32 $0xFFFFF000, v43;
	v15 =	vand.u32 $0x380, v15;
	v12 =	vor.u32 v6, v12  }
0x196: {  	v13 =	vor.u32 v13, v15;
	v12 =	vor.u32 v5, v12  }
0x197: {  	v13 =	vor.u32 v8, v13;
	v44 =	vshll.u32 v42, $0x9;
	v14 =	vshll.u32 v42, $0x7  }
0x198: {  	s16 =	sor.u32 $0x2300, s20;
	v45 =	vor.u32 v7, v13;
	v15 =	vand.u32 $0xFFFFF000, v44;
	v14 =	vand.u32 $0x380, v14  }
0x199: {  	s17 =	sor.u32 s19, s16;
	[tilespmem:v11+s11+$0x0] =	vst.idx.add.f32.msk $0xffff, v2;
	v46 =	vor.u32 v15, v14  }
0x19a: {  	v47 =	vld [tilespmem:s17+$0x0];
	v13 =	vor.u32 v9, v46  }
0x19b: {  	s18 =	sor.u32 s21, s16;
	[tilespmem:v12+s11+$0x0] =	vst.idx.add.f32.msk $0xffff, v2;
	v48 =	vor.u32 v10, v13  }
0x19c: {  	v49 =	vld [tilespmem:s18+$0x0]  }
0x19d: {  	s24 =	sor.u32 s22, s16;
	[tilespmem:v45+s11+$0x0] =	vst.idx.add.f32.msk $0xffff, v2  }
0x19e: {  	v11 =	vld [tilespmem:s24+$0x0]  }
0x19f: {  	v50 =	vshll.u32 v47, $0x9;
	v14 =	vshll.u32 v47, $0x7  }
0x1a0: {  	s0 =	sor.u32 s23, s16;
	v15 =	vand.u32 $0xFFFFF000, v50;
	v14 =	vand.u32 $0x380, v14;
	[tilespmem:v48+s11+$0x0] =	vst.idx.add.f32.msk $0xffff, v2  }
0x1a1: {  	v14 =	vor.u32 v15, v14;
	v51 =	vshll.u32 v49, $0x9;
	v13 =	vshll.u32 v49, $0x7;
	v12 =	vld [tilespmem:s0+$0x0]  }
0x1a2: {  	v14 =	vor.u32 v4, v14;
	v15 =	vand.u32 $0xFFFFF000, v51;
	v13 =	vand.u32 $0x380, v13  }
0x1a3: {  	v52 =	vshll.u32 v11, $0x9;
	v11 =	vshll.u32 v11, $0x7;
	v14 =	vor.u32 v3, v14  }
0x1a4: {  	v13 =	vor.u32 v15, v13;
	v15 =	vand.u32 $0xFFFFF000, v52;
	v11 =	vand.u32 $0x380, v11  }
0x1a5: {  	v13 =	vor.u32 v6, v13;
	v11 =	vor.u32 v15, v11  }
0x1a6: {  	v13 =	vor.u32 v5, v13;
	v53 =	vshll.u32 v12, $0x9;
	v12 =	vshll.u32 v12, $0x7  }
0x1a7: {  	v11 =	vor.u32 v8, v11;
	v15 =	vand.u32 $0xFFFFF000, v53;
	v12 =	vand.u32 $0x380, v12  }
0x1a8: {  	s25 =	sor.u32 $0x2380, s20;
	v11 =	vor.u32 v7, v11;
	v12 =	vor.u32 v15, v12  }
0x1a9: {  	s26 =	sor.u32 s19, s25;
	[tilespmem:v14+s11+$0x0] =	vst.idx.add.f32.msk $0xffff, v2;
	v12 =	vor.u32 v9, v12  }
0x1aa: {  	v14 =	vld [tilespmem:s26+$0x0];
	v12 =	vor.u32 v10, v12  }
0x1ab: {  	s28 =	sor.u32 s21, s25;
	[tilespmem:v13+s11+$0x0] =	vst.idx.add.f32.msk $0xffff, v2  }
0x1ac: {  	v13 =	vld [tilespmem:s28+$0x0]  }
0x1ad: {  	s29 =	sor.u32 s22, s25;
	[tilespmem:v11+s11+$0x0] =	vst.idx.add.f32.msk $0xffff, v2  }
0x1ae: {  	v11 =	vld [tilespmem:s29+$0x0]  }
0x1af: {  	s0 =	sor.u32 s23, s25;
	v54 =	vshll.u32 v14, $0x9;
	v14 =	vshll.u32 v14, $0x7;
	[tilespmem:v12+s11+$0x0] =	vst.idx.add.f32.msk $0xffff, v2  }
0x1b0: {  	v15 =	vand.u32 $0xFFFFF000, v54;
	v14 =	vand.u32 $0x380, v14;
	v12 =	vld [tilespmem:s0+$0x0]  }
0x1b1: {  	v14 =	vor.u32 v15, v14;
	v55 =	vshll.u32 v13, $0x9;
	v13 =	vshll.u32 v13, $0x7  }
0x1b2: {  	v4 =	vor.u32 v4, v14;
	v56 =	vand.u32 $0xFFFFF000, v55;
	v13 =	vand.u32 $0x380, v13  }
0x1b3: {  	v58 =	vshll.u32 v11, $0x9;
	v11 =	vshll.u32 v11, $0x7;
	v3 =	vor.u32 v3, v4  }
0x1b4: {  	v57 =	vor.u32 v56, v13;
	v59 =	vand.u32 $0xFFFFF000, v58;
	v11 =	vand.u32 $0x380, v11  }
0x1b5: {  	v4 =	vor.u32 v6, v57;
	v60 =	vshll.u32 v12, $0x9;
	v12 =	vshll.u32 v12, $0x7  }
0x1b6: {  	v6 =	vor.u32 v59, v11;
	v61 =	vand.u32 $0xFFFFF000, v60;
	v12 =	vand.u32 $0x380, v12  }
0x1b7: {  	v4 =	vor.u32 v5, v4;
	v62 =	vor.u32 v8, v6;
	v63 =	vor.u32 v61, v12  }
0x1b8: {  	v5 =	vor.u32 v7, v62;
	v6 =	vor.u32 v9, v63  }
0x1b9: {  	p1 =	slt.u32 s6, $0x1C0;
	v6 =	vor.u32 v10, v6  }
.Ltmp0:
0x1ba: {  	_ = 	snop;
	(pc) =	sbr.rel @p1 .LBB2_2-.Ltmp0, $4  }
0x1bb: {  	s4 =	rddreg [dreg:$0xa];
	[tilespmem:v3+s11+$0x0] =	vst.idx.add.f32.msk $0xffff, v2  }
0x1bc: {  	p0 =	por !p0, !p0;
	s30 =	rddreg [dreg:$0x9];
	[tilespmem:v4+s11+$0x0] =	vst.idx.add.f32.msk $0xffff, v2  }
0x1bd: {  	s6 =	sadd.s32 $0x40, s6;
	s4 =	sadd.s32 $0x200, s4;
	s31 =	rddreg [dreg:$0x8];
	[tilespmem:v5+s11+$0x0] =	vst.idx.add.f32.msk $0xffff, v2  }
0x1be: {  	s1 =	sadd.s32 $0x4, s30;
	s2 =	sadd.s32 $0x2, s5;
	s0 =	sadd.s32 $0x200, s31;
	[tilespmem:v6+s11+$0x0] =	vst.idx.add.f32.msk $0xffff, v2  }
0x1bf: {  	s0 =	simm.s32 $0x2  }
0x1c0: {  	_ =	swait.ge [sflag:s0], $0x4000  }
0x1c1: {  	[sflag:s0] =	ssyncset.done $0x0  }
0x1c2: {  	s14 =	simm.s32 $0x30;
	s15 =	simm.s32 $0x0;
	[sflag:s0] =	ssyncadd.s32 $0xFFFFC000  }
.LBB2_4:
0x1c3: {  	s16 =	sadd.s32 $0xFFFFFFD0, s14;
	s19 =	sand.u32 $0xC00, s15  }
0x1c4: {  	s30 =	sadd.s32 $0xFFFFFFE0, s14;
	s17 =	sand.u32 $0x40, s16;
	s0 =	sor.u32 $0x3000, s19  }
0x1c5: {  	s31 =	sadd.s32 $0xFFFFFFF0, s14;
	s18 =	sand.u32 $0x50, s30;
	s1 =	sor.u32 s17, s0  }
0x1c6: {  	s20 =	sand.u32 $0x60, s31;
	s2 =	sor.u32 s18, s0;
	v3 =	vld [tilespmem:s1+$0x0]  }
0x1c7: {  	s3 =	sor.u32 s20, s0;
	v6 =	vld [tilespmem:s2+$0x0]  }
0x1c8: {  	v61 =	vld [tilespmem:s3+$0x0]  }
0x1c9: {  	v4 =	vmov s16;
	v8 =	vor.u32 s16, v1;
	v62 =	vmov s30  }
0x1ca: {  	v63 =	vor.u32 s30, v1;
	v17 =	vmov s31;
	v14 =	vor.u32 s31, v1  }
0x1cb: {  	v4 =	vshll.u32 v4, $0x3;
	v11 =	vshll.u32 v62, $0x3;
	v5 =	vshll.u32 v3, $0x9  }
0x1cc: {  	v3 =	vshll.u32 v3, $0x7;
	v10 =	vshll.u32 v6, $0x9;
	v6 =	vshll.u32 v6, $0x7  }
0x1cd: {  	v18 =	vshll.u32 v61, $0x9;
	v5 =	vand.u32 $0xFFFFF000, v5;
	v7 =	vand.u32 $0x380, v3  }
0x1ce: {  	v3 =	vand.u32 $0xC00, v4;
	v10 =	vand.u32 $0xFFFFF000, v10;
	v12 =	vand.u32 $0x380, v6  }
0x1cf: {  	v6 =	vand.u32 $0xC00, v11;
	v11 =	vand.u32 $0xFFFFF000, v18;
	v60 =	vor.u32 v5, v7  }
0x1d0: {  	v5 =	vand.u32 $0x4F, v8;
	v16 =	vor.u32 v10, v12;
	v4 =	vor.u32 v3, v60  }
0x1d1: {  	v7 =	vshll.u32 v61, $0x7;
	v10 =	vshll.u32 v17, $0x3;
	v9 =	vor.u32 v5, v4  }
0x1d2: {  	s21 =	sand.u32 $0x70, s14;
	v13 =	vand.u32 $0x380, v7;
	v21 =	vor.u32 v6, v16;
	v4 =	vand.u32 $0x5F, v63  }
0x1d3: {  	s0 =	sor.u32 s21, s0;
	v7 =	vand.u32 $0xC00, v10;
	v20 =	vor.u32 v11, v13;
	v11 =	vor.u32 v4, v21  }
0x1d4: {  	v19 =	vld [tilespmem:s0+$0x0];
	v8 =	vand.u32 $0x6F, v14;
	v10 =	vor.u32 v7, v20  }
0x1d5: {  	s2 =	sor.u32 $0x3080, s19;
	v22 =	vor.u32 v8, v10  }
0x1d6: {  	s3 =	sor.u32 s17, s2;
	[tilespmem:v9+s11+$0x0] =	vst.idx.add.f32.msk $0xffff, v2  }
0x1d7: {  	v25 =	vld [tilespmem:s3+$0x0]  }
0x1d8: {  	s4 =	sor.u32 s18, s2;
	[tilespmem:v11+s11+$0x0] =	vst.idx.add.f32.msk $0xffff, v2  }
0x1d9: {  	v23 =	vmov s14;
	v24 =	vshll.u32 v19, $0x9;
	v12 =	vshll.u32 v19, $0x7;
	v27 =	vld [tilespmem:s4+$0x0]  }
0x1da: {  	s5 =	sor.u32 s20, s2;
	v14 =	vand.u32 $0xFFFFF000, v24;
	v12 =	vand.u32 $0x380, v12;
	v10 =	vshll.u32 v23, $0x3;
	[tilespmem:v22+s11+$0x0] =	vst.idx.add.f32.msk $0xffff, v2  }
0x1db: {  	v15 =	vor.u32 s14, v1;
	v12 =	vor.u32 v14, v12;
	v9 =	vand.u32 $0xC00, v10;
	v29 =	vld [tilespmem:s5+$0x0]  }
0x1dc: {  	v10 =	vand.u32 $0x7F, v15;
	v12 =	vor.u32 v9, v12  }
0x1dd: {  	v26 =	vor.u32 v10, v12;
	v28 =	vshll.u32 v25, $0x9;
	v14 =	vshll.u32 v25, $0x7  }
0x1de: {  	v13 =	vand.u32 $0xFFFFF000, v28;
	v14 =	vand.u32 $0x380, v14;
	v31 =	vshll.u32 v27, $0x9  }
0x1df: {  	v12 =	vshll.u32 v27, $0x7;
	v30 =	vor.u32 v13, v14;
	v13 =	vand.u32 $0xFFFFF000, v31  }
0x1e0: {  	v12 =	vand.u32 $0x380, v12;
	v33 =	vshll.u32 v29, $0x9;
	v11 =	vor.u32 v3, v30  }
0x1e1: {  	v15 =	vshll.u32 v29, $0x7;
	v12 =	vor.u32 v13, v12;
	v11 =	vor.u32 v5, v11  }
0x1e2: {  	v13 =	vand.u32 $0xFFFFF000, v33;
	v15 =	vand.u32 $0x380, v15;
	v12 =	vor.u32 v6, v12  }
0x1e3: {  	s0 =	sor.u32 s21, s2;
	[tilespmem:v26+s11+$0x0] =	vst.idx.add.f32.msk $0xffff, v2;
	v13 =	vor.u32 v13, v15;
	v12 =	vor.u32 v4, v12  }
0x1e4: {  	v32 =	vld [tilespmem:s0+$0x0];
	v13 =	vor.u32 v7, v13  }
0x1e5: {  	s6 =	sor.u32 $0x3100, s19;
	v35 =	vor.u32 v8, v13  }
0x1e6: {  	s7 =	sor.u32 s17, s6;
	[tilespmem:v11+s11+$0x0] =	vst.idx.add.f32.msk $0xffff, v2  }
0x1e7: {  	v37 =	vld [tilespmem:s7+$0x0]  }
0x1e8: {  	s8 =	sor.u32 s18, s6;
	[tilespmem:v12+s11+$0x0] =	vst.idx.add.f32.msk $0xffff, v2  }
0x1e9: {  	v34 =	vshll.u32 v32, $0x9;
	v14 =	vshll.u32 v32, $0x7;
	v39 =	vld [tilespmem:s8+$0x0]  }
0x1ea: {  	s9 =	sor.u32 s20, s6;
	v15 =	vand.u32 $0xFFFFF000, v34;
	v14 =	vand.u32 $0x380, v14;
	[tilespmem:v35+s11+$0x0] =	vst.idx.add.f32.msk $0xffff, v2  }
0x1eb: {  	v36 =	vor.u32 v15, v14;
	v41 =	vld [tilespmem:s9+$0x0]  }
0x1ec: {  	v13 =	vor.u32 v9, v36  }
0x1ed: {  	v38 =	vor.u32 v10, v13;
	v40 =	vshll.u32 v37, $0x9;
	v14 =	vshll.u32 v37, $0x7  }
0x1ee: {  	v11 =	vand.u32 $0xFFFFF000, v40;
	v14 =	vand.u32 $0x380, v14;
	v42 =	vshll.u32 v39, $0x9  }
0x1ef: {  	v13 =	vshll.u32 v39, $0x7;
	v11 =	vor.u32 v11, v14;
	v12 =	vand.u32 $0xFFFFF000, v42  }
0x1f0: {  	v13 =	vand.u32 $0x380, v13;
	v44 =	vshll.u32 v41, $0x9;
	v11 =	vor.u32 v3, v11  }
0x1f1: {  	v15 =	vshll.u32 v41, $0x7;
	v12 =	vor.u32 v12, v13;
	v11 =	vor.u32 v5, v11  }
0x1f2: {  	v13 =	vand.u32 $0xFFFFF000, v44;
	v15 =	vand.u32 $0x380, v15;
	v12 =	vor.u32 v6, v12  }
0x1f3: {  	s0 =	sor.u32 s21, s6;
	[tilespmem:v38+s11+$0x0] =	vst.idx.add.f32.msk $0xffff, v2;
	v13 =	vor.u32 v13, v15;
	v12 =	vor.u32 v4, v12  }
0x1f4: {  	v43 =	vld [tilespmem:s0+$0x0];
	v13 =	vor.u32 v7, v13  }
0x1f5: {  	s10 =	sor.u32 $0x3180, s19;
	v46 =	vor.u32 v8, v13  }
0x1f6: {  	s12 =	sor.u32 s17, s10;
	[tilespmem:v11+s11+$0x0] =	vst.idx.add.f32.msk $0xffff, v2  }
0x1f7: {  	v48 =	vld [tilespmem:s12+$0x0]  }
0x1f8: {  	s13 =	sor.u32 s18, s10;
	[tilespmem:v12+s11+$0x0] =	vst.idx.add.f32.msk $0xffff, v2  }
0x1f9: {  	v45 =	vshll.u32 v43, $0x9;
	v14 =	vshll.u32 v43, $0x7;
	v50 =	vld [tilespmem:s13+$0x0]  }
0x1fa: {  	s22 =	sor.u32 s20, s10;
	v15 =	vand.u32 $0xFFFFF000, v45;
	v14 =	vand.u32 $0x380, v14;
	[tilespmem:v46+s11+$0x0] =	vst.idx.add.f32.msk $0xffff, v2  }
0x1fb: {  	v47 =	vor.u32 v15, v14;
	v52 =	vld [tilespmem:s22+$0x0]  }
0x1fc: {  	v13 =	vor.u32 v9, v47  }
0x1fd: {  	v49 =	vor.u32 v10, v13;
	v51 =	vshll.u32 v48, $0x9;
	v14 =	vshll.u32 v48, $0x7  }
0x1fe: {  	v11 =	vand.u32 $0xFFFFF000, v51;
	v14 =	vand.u32 $0x380, v14;
	v53 =	vshll.u32 v50, $0x9  }
0x1ff: {  	v13 =	vshll.u32 v50, $0x7;
	v11 =	vor.u32 v11, v14;
	v12 =	vand.u32 $0xFFFFF000, v53  }
0x200: {  	v13 =	vand.u32 $0x380, v13;
	v55 =	vshll.u32 v52, $0x9;
	v11 =	vor.u32 v3, v11  }
0x201: {  	v15 =	vshll.u32 v52, $0x7;
	v12 =	vor.u32 v12, v13;
	v11 =	vor.u32 v5, v11  }
0x202: {  	v13 =	vand.u32 $0xFFFFF000, v55;
	v15 =	vand.u32 $0x380, v15;
	v12 =	vor.u32 v6, v12  }
0x203: {  	s0 =	sor.u32 s21, s10;
	[tilespmem:v49+s11+$0x0] =	vst.idx.add.f32.msk $0xffff, v2;
	v13 =	vor.u32 v13, v15;
	v12 =	vor.u32 v4, v12  }
0x204: {  	v54 =	vld [tilespmem:s0+$0x0];
	v13 =	vor.u32 v7, v13  }
0x205: {  	s23 =	sor.u32 $0x3200, s19;
	v57 =	vor.u32 v8, v13  }
0x206: {  	s24 =	sor.u32 s17, s23;
	[tilespmem:v11+s11+$0x0] =	vst.idx.add.f32.msk $0xffff, v2  }
0x207: {  	v59 =	vld [tilespmem:s24+$0x0]  }
0x208: {  	s25 =	sor.u32 s18, s23;
	[tilespmem:v12+s11+$0x0] =	vst.idx.add.f32.msk $0xffff, v2  }
0x209: {  	v56 =	vshll.u32 v54, $0x9;
	v14 =	vshll.u32 v54, $0x7;
	v61 =	vld [tilespmem:s25+$0x0]  }
0x20a: {  	s26 =	sor.u32 s20, s23;
	v15 =	vand.u32 $0xFFFFF000, v56;
	v14 =	vand.u32 $0x380, v14;
	[tilespmem:v57+s11+$0x0] =	vst.idx.add.f32.msk $0xffff, v2  }
0x20b: {  	v58 =	vor.u32 v15, v14;
	v63 =	vld [tilespmem:s26+$0x0]  }
0x20c: {  	v13 =	vor.u32 v9, v58  }
0x20d: {  	v60 =	vor.u32 v10, v13;
	v62 =	vshll.u32 v59, $0x9;
	v14 =	vshll.u32 v59, $0x7  }
0x20e: {  	v11 =	vand.u32 $0xFFFFF000, v62;
	v14 =	vand.u32 $0x380, v14;
	v18 =	vshll.u32 v61, $0x9  }
0x20f: {  	v13 =	vshll.u32 v61, $0x7;
	v11 =	vor.u32 v11, v14;
	v12 =	vand.u32 $0xFFFFF000, v18  }
0x210: {  	v13 =	vand.u32 $0x380, v13;
	v20 =	vshll.u32 v63, $0x9;
	v11 =	vor.u32 v3, v11  }
0x211: {  	v15 =	vshll.u32 v63, $0x7;
	v12 =	vor.u32 v12, v13;
	v11 =	vor.u32 v5, v11  }
0x212: {  	v13 =	vand.u32 $0xFFFFF000, v20;
	v15 =	vand.u32 $0x380, v15;
	v12 =	vor.u32 v6, v12  }
0x213: {  	s0 =	sor.u32 s21, s23;
	[tilespmem:v60+s11+$0x0] =	vst.idx.add.f32.msk $0xffff, v2;
	v13 =	vor.u32 v13, v15;
	v12 =	vor.u32 v4, v12  }
0x214: {  	v19 =	vld [tilespmem:s0+$0x0];
	v13 =	vor.u32 v7, v13  }
0x215: {  	s28 =	sor.u32 $0x3280, s19;
	v22 =	vor.u32 v8, v13  }
0x216: {  	s29 =	sor.u32 s17, s28;
	[tilespmem:v11+s11+$0x0] =	vst.idx.add.f32.msk $0xffff, v2  }
0x217: {  	v24 =	vld [tilespmem:s29+$0x0]  }
0x218: {  	s30 =	sor.u32 s18, s28;
	[tilespmem:v12+s11+$0x0] =	vst.idx.add.f32.msk $0xffff, v2  }
0x219: {  	v21 =	vshll.u32 v19, $0x9;
	v14 =	vshll.u32 v19, $0x7;
	v26 =	vld [tilespmem:s30+$0x0]  }
0x21a: {  	s31 =	sor.u32 s20, s28;
	v15 =	vand.u32 $0xFFFFF000, v21;
	v14 =	vand.u32 $0x380, v14;
	[tilespmem:v22+s11+$0x0] =	vst.idx.add.f32.msk $0xffff, v2  }
0x21b: {  	v23 =	vor.u32 v15, v14;
	v28 =	vld [tilespmem:s31+$0x0]  }
0x21c: {  	v13 =	vor.u32 v9, v23  }
0x21d: {  	v25 =	vor.u32 v10, v13;
	v27 =	vshll.u32 v24, $0x9;
	v14 =	vshll.u32 v24, $0x7  }
0x21e: {  	v11 =	vand.u32 $0xFFFFF000, v27;
	v14 =	vand.u32 $0x380, v14;
	v29 =	vshll.u32 v26, $0x9  }
0x21f: {  	v13 =	vshll.u32 v26, $0x7;
	v11 =	vor.u32 v11, v14;
	v12 =	vand.u32 $0xFFFFF000, v29  }
0x220: {  	v13 =	vand.u32 $0x380, v13;
	v31 =	vshll.u32 v28, $0x9;
	v11 =	vor.u32 v3, v11  }
0x221: {  	v15 =	vshll.u32 v28, $0x7;
	v12 =	vor.u32 v12, v13;
	v11 =	vor.u32 v5, v11  }
0x222: {  	v13 =	vand.u32 $0xFFFFF000, v31;
	v15 =	vand.u32 $0x380, v15;
	v12 =	vor.u32 v6, v12  }
0x223: {  	s0 =	sor.u32 s21, s28;
	[tilespmem:v25+s11+$0x0] =	vst.idx.add.f32.msk $0xffff, v2;
	v13 =	vor.u32 v13, v15;
	v12 =	vor.u32 v4, v12  }
0x224: {  	v30 =	vld [tilespmem:s0+$0x0];
	v13 =	vor.u32 v7, v13  }
0x225: {  	s2 =	sor.u32 $0x3300, s19;
	v33 =	vor.u32 v8, v13  }
0x226: {  	s3 =	sor.u32 s17, s2;
	[tilespmem:v11+s11+$0x0] =	vst.idx.add.f32.msk $0xffff, v2  }
0x227: {  	v35 =	vld [tilespmem:s3+$0x0]  }
0x228: {  	s4 =	sor.u32 s18, s2;
	[tilespmem:v12+s11+$0x0] =	vst.idx.add.f32.msk $0xffff, v2  }
0x229: {  	v32 =	vshll.u32 v30, $0x9;
	v14 =	vshll.u32 v30, $0x7;
	v37 =	vld [tilespmem:s4+$0x0]  }
0x22a: {  	s5 =	sor.u32 s20, s2;
	v15 =	vand.u32 $0xFFFFF000, v32;
	v14 =	vand.u32 $0x380, v14;
	[tilespmem:v33+s11+$0x0] =	vst.idx.add.f32.msk $0xffff, v2  }
0x22b: {  	v34 =	vor.u32 v15, v14;
	v39 =	vld [tilespmem:s5+$0x0]  }
0x22c: {  	v13 =	vor.u32 v9, v34  }
0x22d: {  	v36 =	vor.u32 v10, v13;
	v38 =	vshll.u32 v35, $0x9;
	v14 =	vshll.u32 v35, $0x7  }
0x22e: {  	v11 =	vand.u32 $0xFFFFF000, v38;
	v14 =	vand.u32 $0x380, v14;
	v40 =	vshll.u32 v37, $0x9  }
0x22f: {  	v13 =	vshll.u32 v37, $0x7;
	v11 =	vor.u32 v11, v14;
	v12 =	vand.u32 $0xFFFFF000, v40  }
0x230: {  	v13 =	vand.u32 $0x380, v13;
	v42 =	vshll.u32 v39, $0x9;
	v11 =	vor.u32 v3, v11  }
0x231: {  	v15 =	vshll.u32 v39, $0x7;
	v12 =	vor.u32 v12, v13;
	v11 =	vor.u32 v5, v11  }
0x232: {  	v13 =	vand.u32 $0xFFFFF000, v42;
	v15 =	vand.u32 $0x380, v15;
	v12 =	vor.u32 v6, v12  }
0x233: {  	s0 =	sor.u32 s21, s2;
	[tilespmem:v36+s11+$0x0] =	vst.idx.add.f32.msk $0xffff, v2;
	v13 =	vor.u32 v13, v15;
	v12 =	vor.u32 v4, v12  }
0x234: {  	v41 =	vld [tilespmem:s0+$0x0];
	v13 =	vor.u32 v7, v13  }
0x235: {  	s6 =	sor.u32 $0x3380, s19;
	v44 =	vor.u32 v8, v13  }
0x236: {  	s7 =	sor.u32 s17, s6;
	[tilespmem:v11+s11+$0x0] =	vst.idx.add.f32.msk $0xffff, v2  }
0x237: {  	v46 =	vld [tilespmem:s7+$0x0]  }
0x238: {  	s8 =	sor.u32 s18, s6;
	[tilespmem:v12+s11+$0x0] =	vst.idx.add.f32.msk $0xffff, v2  }
0x239: {  	v43 =	vshll.u32 v41, $0x9;
	v14 =	vshll.u32 v41, $0x7;
	v48 =	vld [tilespmem:s8+$0x0]  }
0x23a: {  	s9 =	sor.u32 s20, s6;
	v15 =	vand.u32 $0xFFFFF000, v43;
	v14 =	vand.u32 $0x380, v14;
	[tilespmem:v44+s11+$0x0] =	vst.idx.add.f32.msk $0xffff, v2  }
0x23b: {  	v45 =	vor.u32 v15, v14;
	v50 =	vld [tilespmem:s9+$0x0]  }
0x23c: {  	v13 =	vor.u32 v9, v45  }
0x23d: {  	v47 =	vor.u32 v10, v13;
	v49 =	vshll.u32 v46, $0x9;
	v14 =	vshll.u32 v46, $0x7  }
0x23e: {  	v11 =	vand.u32 $0xFFFFF000, v49;
	v14 =	vand.u32 $0x380, v14;
	v51 =	vshll.u32 v48, $0x9  }
0x23f: {  	v13 =	vshll.u32 v48, $0x7;
	v11 =	vor.u32 v11, v14;
	v12 =	vand.u32 $0xFFFFF000, v51  }
0x240: {  	v13 =	vand.u32 $0x380, v13;
	v53 =	vshll.u32 v50, $0x9;
	v11 =	vor.u32 v3, v11  }
0x241: {  	v15 =	vshll.u32 v50, $0x7;
	v12 =	vor.u32 v12, v13;
	v11 =	vor.u32 v5, v11  }
0x242: {  	v13 =	vand.u32 $0xFFFFF000, v53;
	v15 =	vand.u32 $0x380, v15;
	v12 =	vor.u32 v6, v12  }
0x243: {  	s0 =	sor.u32 s21, s6;
	[tilespmem:v47+s11+$0x0] =	vst.idx.add.f32.msk $0xffff, v2;
	v13 =	vor.u32 v13, v15;
	v12 =	vor.u32 v4, v12  }
0x244: {  	v52 =	vld [tilespmem:s0+$0x0];
	v13 =	vor.u32 v7, v13  }
0x245: {  	s10 =	sor.u32 $0x4000, s19;
	v55 =	vor.u32 v8, v13  }
0x246: {  	s12 =	sor.u32 s17, s10;
	[tilespmem:v11+s11+$0x0] =	vst.idx.add.f32.msk $0xffff, v2  }
0x247: {  	v57 =	vld [tilespmem:s12+$0x0]  }
0x248: {  	s13 =	sor.u32 s18, s10;
	[tilespmem:v12+s11+$0x0] =	vst.idx.add.f32.msk $0xffff, v2  }
0x249: {  	v54 =	vshll.u32 v52, $0x9;
	v14 =	vshll.u32 v52, $0x7;
	v59 =	vld [tilespmem:s13+$0x0]  }
0x24a: {  	s22 =	sor.u32 s20, s10;
	v15 =	vand.u32 $0xFFFFF000, v54;
	v14 =	vand.u32 $0x380, v14;
	[tilespmem:v55+s11+$0x0] =	vst.idx.add.f32.msk $0xffff, v2  }
0x24b: {  	v56 =	vor.u32 v15, v14;
	v61 =	vld [tilespmem:s22+$0x0]  }
0x24c: {  	v13 =	vor.u32 v9, v56  }
0x24d: {  	v58 =	vor.u32 v10, v13;
	v60 =	vshll.u32 v57, $0x9;
	v14 =	vshll.u32 v57, $0x7  }
0x24e: {  	v11 =	vand.u32 $0xFFFFF000, v60;
	v14 =	vand.u32 $0x380, v14;
	v62 =	vshll.u32 v59, $0x9  }
0x24f: {  	v13 =	vshll.u32 v59, $0x7;
	v11 =	vor.u32 v11, v14;
	v12 =	vand.u32 $0xFFFFF000, v62  }
0x250: {  	v13 =	vand.u32 $0x380, v13;
	v18 =	vshll.u32 v61, $0x9;
	v11 =	vor.u32 v3, v11  }
0x251: {  	v15 =	vshll.u32 v61, $0x7;
	v12 =	vor.u32 v12, v13;
	v11 =	vor.u32 v5, v11  }
0x252: {  	v13 =	vand.u32 $0xFFFFF000, v18;
	v15 =	vand.u32 $0x380, v15;
	v12 =	vor.u32 v6, v12  }
0x253: {  	s0 =	sor.u32 s21, s10;
	[tilespmem:v58+s11+$0x0] =	vst.idx.add.f32.msk $0xffff, v2;
	v13 =	vor.u32 v13, v15;
	v12 =	vor.u32 v4, v12  }
0x254: {  	v63 =	vld [tilespmem:s0+$0x0];
	v13 =	vor.u32 v7, v13  }
0x255: {  	s23 =	sor.u32 $0x4080, s19;
	v20 =	vor.u32 v8, v13  }
0x256: {  	s24 =	sor.u32 s17, s23;
	[tilespmem:v11+s11+$0x0] =	vst.idx.add.f32.msk $0xffff, v2  }
0x257: {  	v22 =	vld [tilespmem:s24+$0x0]  }
0x258: {  	s25 =	sor.u32 s18, s23;
	[tilespmem:v12+s11+$0x0] =	vst.idx.add.f32.msk $0xffff, v2  }
0x259: {  	v19 =	vshll.u32 v63, $0x9;
	v14 =	vshll.u32 v63, $0x7;
	v24 =	vld [tilespmem:s25+$0x0]  }
0x25a: {  	s26 =	sor.u32 s20, s23;
	v15 =	vand.u32 $0xFFFFF000, v19;
	v14 =	vand.u32 $0x380, v14;
	[tilespmem:v20+s11+$0x0] =	vst.idx.add.f32.msk $0xffff, v2  }
0x25b: {  	v21 =	vor.u32 v15, v14;
	v26 =	vld [tilespmem:s26+$0x0]  }
0x25c: {  	v13 =	vor.u32 v9, v21  }
0x25d: {  	v23 =	vor.u32 v10, v13;
	v25 =	vshll.u32 v22, $0x9;
	v14 =	vshll.u32 v22, $0x7  }
0x25e: {  	v11 =	vand.u32 $0xFFFFF000, v25;
	v14 =	vand.u32 $0x380, v14;
	v27 =	vshll.u32 v24, $0x9  }
0x25f: {  	v13 =	vshll.u32 v24, $0x7;
	v11 =	vor.u32 v11, v14;
	v12 =	vand.u32 $0xFFFFF000, v27  }
0x260: {  	v13 =	vand.u32 $0x380, v13;
	v29 =	vshll.u32 v26, $0x9;
	v11 =	vor.u32 v3, v11  }
0x261: {  	v15 =	vshll.u32 v26, $0x7;
	v12 =	vor.u32 v12, v13;
	v11 =	vor.u32 v5, v11  }
0x262: {  	v13 =	vand.u32 $0xFFFFF000, v29;
	v15 =	vand.u32 $0x380, v15;
	v12 =	vor.u32 v6, v12  }
0x263: {  	s0 =	sor.u32 s21, s23;
	[tilespmem:v23+s11+$0x0] =	vst.idx.add.f32.msk $0xffff, v2;
	v13 =	vor.u32 v13, v15;
	v12 =	vor.u32 v4, v12  }
0x264: {  	v28 =	vld [tilespmem:s0+$0x0];
	v13 =	vor.u32 v7, v13  }
0x265: {  	s28 =	sor.u32 $0x4100, s19;
	v31 =	vor.u32 v8, v13  }
0x266: {  	s29 =	sor.u32 s17, s28;
	[tilespmem:v11+s11+$0x0] =	vst.idx.add.f32.msk $0xffff, v2  }
0x267: {  	v33 =	vld [tilespmem:s29+$0x0]  }
0x268: {  	s30 =	sor.u32 s18, s28;
	[tilespmem:v12+s11+$0x0] =	vst.idx.add.f32.msk $0xffff, v2  }
0x269: {  	v30 =	vshll.u32 v28, $0x9;
	v14 =	vshll.u32 v28, $0x7;
	v35 =	vld [tilespmem:s30+$0x0]  }
0x26a: {  	s31 =	sor.u32 s20, s28;
	v15 =	vand.u32 $0xFFFFF000, v30;
	v14 =	vand.u32 $0x380, v14;
	[tilespmem:v31+s11+$0x0] =	vst.idx.add.f32.msk $0xffff, v2  }
0x26b: {  	v32 =	vor.u32 v15, v14;
	v37 =	vld [tilespmem:s31+$0x0]  }
0x26c: {  	v13 =	vor.u32 v9, v32  }
0x26d: {  	v34 =	vor.u32 v10, v13;
	v36 =	vshll.u32 v33, $0x9;
	v14 =	vshll.u32 v33, $0x7  }
0x26e: {  	v11 =	vand.u32 $0xFFFFF000, v36;
	v14 =	vand.u32 $0x380, v14;
	v38 =	vshll.u32 v35, $0x9  }
0x26f: {  	v13 =	vshll.u32 v35, $0x7;
	v11 =	vor.u32 v11, v14;
	v12 =	vand.u32 $0xFFFFF000, v38  }
0x270: {  	v13 =	vand.u32 $0x380, v13;
	v40 =	vshll.u32 v37, $0x9;
	v11 =	vor.u32 v3, v11  }
0x271: {  	v15 =	vshll.u32 v37, $0x7;
	v12 =	vor.u32 v12, v13;
	v11 =	vor.u32 v5, v11  }
0x272: {  	v13 =	vand.u32 $0xFFFFF000, v40;
	v15 =	vand.u32 $0x380, v15;
	v12 =	vor.u32 v6, v12  }
0x273: {  	s0 =	sor.u32 s21, s28;
	[tilespmem:v34+s11+$0x0] =	vst.idx.add.f32.msk $0xffff, v2;
	v13 =	vor.u32 v13, v15;
	v12 =	vor.u32 v4, v12  }
0x274: {  	v39 =	vld [tilespmem:s0+$0x0];
	v13 =	vor.u32 v7, v13  }
0x275: {  	s2 =	sor.u32 $0x4180, s19;
	v42 =	vor.u32 v8, v13  }
0x276: {  	s3 =	sor.u32 s17, s2;
	[tilespmem:v11+s11+$0x0] =	vst.idx.add.f32.msk $0xffff, v2  }
0x277: {  	v44 =	vld [tilespmem:s3+$0x0]  }
0x278: {  	s4 =	sor.u32 s18, s2;
	[tilespmem:v12+s11+$0x0] =	vst.idx.add.f32.msk $0xffff, v2  }
0x279: {  	v41 =	vshll.u32 v39, $0x9;
	v14 =	vshll.u32 v39, $0x7;
	v46 =	vld [tilespmem:s4+$0x0]  }
0x27a: {  	s5 =	sor.u32 s20, s2;
	v15 =	vand.u32 $0xFFFFF000, v41;
	v14 =	vand.u32 $0x380, v14;
	[tilespmem:v42+s11+$0x0] =	vst.idx.add.f32.msk $0xffff, v2  }
0x27b: {  	v43 =	vor.u32 v15, v14;
	v48 =	vld [tilespmem:s5+$0x0]  }
0x27c: {  	v13 =	vor.u32 v9, v43  }
0x27d: {  	v45 =	vor.u32 v10, v13;
	v47 =	vshll.u32 v44, $0x9;
	v14 =	vshll.u32 v44, $0x7  }
0x27e: {  	v11 =	vand.u32 $0xFFFFF000, v47;
	v14 =	vand.u32 $0x380, v14;
	v49 =	vshll.u32 v46, $0x9  }
0x27f: {  	v13 =	vshll.u32 v46, $0x7;
	v11 =	vor.u32 v11, v14;
	v12 =	vand.u32 $0xFFFFF000, v49  }
0x280: {  	v13 =	vand.u32 $0x380, v13;
	v51 =	vshll.u32 v48, $0x9;
	v11 =	vor.u32 v3, v11  }
0x281: {  	v15 =	vshll.u32 v48, $0x7;
	v12 =	vor.u32 v12, v13;
	v11 =	vor.u32 v5, v11  }
0x282: {  	v13 =	vand.u32 $0xFFFFF000, v51;
	v15 =	vand.u32 $0x380, v15;
	v12 =	vor.u32 v6, v12  }
0x283: {  	s0 =	sor.u32 s21, s2;
	[tilespmem:v45+s11+$0x0] =	vst.idx.add.f32.msk $0xffff, v2;
	v13 =	vor.u32 v13, v15;
	v12 =	vor.u32 v4, v12  }
0x284: {  	v50 =	vld [tilespmem:s0+$0x0];
	v13 =	vor.u32 v7, v13  }
0x285: {  	s6 =	sor.u32 $0x4200, s19;
	v53 =	vor.u32 v8, v13  }
0x286: {  	s7 =	sor.u32 s17, s6;
	[tilespmem:v11+s11+$0x0] =	vst.idx.add.f32.msk $0xffff, v2  }
0x287: {  	v55 =	vld [tilespmem:s7+$0x0]  }
0x288: {  	s8 =	sor.u32 s18, s6;
	[tilespmem:v12+s11+$0x0] =	vst.idx.add.f32.msk $0xffff, v2  }
0x289: {  	v52 =	vshll.u32 v50, $0x9;
	v14 =	vshll.u32 v50, $0x7;
	v57 =	vld [tilespmem:s8+$0x0]  }
0x28a: {  	s9 =	sor.u32 s20, s6;
	v15 =	vand.u32 $0xFFFFF000, v52;
	v14 =	vand.u32 $0x380, v14;
	[tilespmem:v53+s11+$0x0] =	vst.idx.add.f32.msk $0xffff, v2  }
0x28b: {  	v54 =	vor.u32 v15, v14;
	v59 =	vld [tilespmem:s9+$0x0]  }
0x28c: {  	v13 =	vor.u32 v9, v54  }
0x28d: {  	v56 =	vor.u32 v10, v13;
	v58 =	vshll.u32 v55, $0x9;
	v14 =	vshll.u32 v55, $0x7  }
0x28e: {  	v11 =	vand.u32 $0xFFFFF000, v58;
	v14 =	vand.u32 $0x380, v14;
	v60 =	vshll.u32 v57, $0x9  }
0x28f: {  	v13 =	vshll.u32 v57, $0x7;
	v11 =	vor.u32 v11, v14;
	v12 =	vand.u32 $0xFFFFF000, v60  }
0x290: {  	v13 =	vand.u32 $0x380, v13;
	v62 =	vshll.u32 v59, $0x9;
	v11 =	vor.u32 v3, v11  }
0x291: {  	v15 =	vshll.u32 v59, $0x7;
	v12 =	vor.u32 v12, v13;
	v11 =	vor.u32 v5, v11  }
0x292: {  	v13 =	vand.u32 $0xFFFFF000, v62;
	v15 =	vand.u32 $0x380, v15;
	v12 =	vor.u32 v6, v12  }
0x293: {  	s0 =	sor.u32 s21, s6;
	[tilespmem:v56+s11+$0x0] =	vst.idx.add.f32.msk $0xffff, v2;
	v13 =	vor.u32 v13, v15;
	v12 =	vor.u32 v4, v12  }
0x294: {  	v61 =	vld [tilespmem:s0+$0x0];
	v13 =	vor.u32 v7, v13  }
0x295: {  	s10 =	sor.u32 $0x4280, s19;
	v16 =	vor.u32 v8, v13  }
0x296: {  	s12 =	sor.u32 s17, s10;
	[tilespmem:v11+s11+$0x0] =	vst.idx.add.f32.msk $0xffff, v2  }
0x297: {  	v18 =	vld [tilespmem:s12+$0x0]  }
0x298: {  	s13 =	sor.u32 s18, s10;
	[tilespmem:v12+s11+$0x0] =	vst.idx.add.f32.msk $0xffff, v2  }
0x299: {  	v63 =	vshll.u32 v61, $0x9;
	v14 =	vshll.u32 v61, $0x7;
	v20 =	vld [tilespmem:s13+$0x0]  }
0x29a: {  	s22 =	sor.u32 s20, s10;
	v15 =	vand.u32 $0xFFFFF000, v63;
	v14 =	vand.u32 $0x380, v14;
	[tilespmem:v16+s11+$0x0] =	vst.idx.add.f32.msk $0xffff, v2  }
0x29b: {  	v17 =	vor.u32 v15, v14;
	v22 =	vld [tilespmem:s22+$0x0]  }
0x29c: {  	v13 =	vor.u32 v9, v17  }
0x29d: {  	v19 =	vor.u32 v10, v13;
	v21 =	vshll.u32 v18, $0x9;
	v14 =	vshll.u32 v18, $0x7  }
0x29e: {  	v11 =	vand.u32 $0xFFFFF000, v21;
	v14 =	vand.u32 $0x380, v14;
	v23 =	vshll.u32 v20, $0x9  }
0x29f: {  	v13 =	vshll.u32 v20, $0x7;
	v11 =	vor.u32 v11, v14;
	v12 =	vand.u32 $0xFFFFF000, v23  }
0x2a0: {  	v13 =	vand.u32 $0x380, v13;
	v25 =	vshll.u32 v22, $0x9;
	v11 =	vor.u32 v3, v11  }
0x2a1: {  	v15 =	vshll.u32 v22, $0x7;
	v12 =	vor.u32 v12, v13;
	v11 =	vor.u32 v5, v11  }
0x2a2: {  	v13 =	vand.u32 $0xFFFFF000, v25;
	v15 =	vand.u32 $0x380, v15;
	v12 =	vor.u32 v6, v12  }
0x2a3: {  	s0 =	sor.u32 s21, s10;
	[tilespmem:v19+s11+$0x0] =	vst.idx.add.f32.msk $0xffff, v2;
	v13 =	vor.u32 v13, v15;
	v12 =	vor.u32 v4, v12  }
0x2a4: {  	v24 =	vld [tilespmem:s0+$0x0];
	v13 =	vor.u32 v7, v13  }
0x2a5: {  	s23 =	sor.u32 $0x4300, s19;
	v27 =	vor.u32 v8, v13  }
0x2a6: {  	s24 =	sor.u32 s17, s23;
	[tilespmem:v11+s11+$0x0] =	vst.idx.add.f32.msk $0xffff, v2  }
0x2a7: {  	v29 =	vld [tilespmem:s24+$0x0]  }
0x2a8: {  	s25 =	sor.u32 s18, s23;
	[tilespmem:v12+s11+$0x0] =	vst.idx.add.f32.msk $0xffff, v2  }
0x2a9: {  	v26 =	vshll.u32 v24, $0x9;
	v14 =	vshll.u32 v24, $0x7;
	v31 =	vld [tilespmem:s25+$0x0]  }
0x2aa: {  	s26 =	sor.u32 s20, s23;
	v15 =	vand.u32 $0xFFFFF000, v26;
	v14 =	vand.u32 $0x380, v14;
	[tilespmem:v27+s11+$0x0] =	vst.idx.add.f32.msk $0xffff, v2  }
0x2ab: {  	v28 =	vor.u32 v15, v14;
	v33 =	vld [tilespmem:s26+$0x0]  }
0x2ac: {  	v13 =	vor.u32 v9, v28  }
0x2ad: {  	v30 =	vor.u32 v10, v13;
	v32 =	vshll.u32 v29, $0x9;
	v14 =	vshll.u32 v29, $0x7  }
0x2ae: {  	v11 =	vand.u32 $0xFFFFF000, v32;
	v14 =	vand.u32 $0x380, v14;
	v34 =	vshll.u32 v31, $0x9  }
0x2af: {  	v13 =	vshll.u32 v31, $0x7;
	v11 =	vor.u32 v11, v14;
	v12 =	vand.u32 $0xFFFFF000, v34  }
0x2b0: {  	v13 =	vand.u32 $0x380, v13;
	v36 =	vshll.u32 v33, $0x9;
	v11 =	vor.u32 v3, v11  }
0x2b1: {  	v15 =	vshll.u32 v33, $0x7;
	v12 =	vor.u32 v12, v13;
	v11 =	vor.u32 v5, v11  }
0x2b2: {  	v13 =	vand.u32 $0xFFFFF000, v36;
	v15 =	vand.u32 $0x380, v15;
	v12 =	vor.u32 v6, v12  }
0x2b3: {  	s0 =	sor.u32 s21, s23;
	[tilespmem:v30+s11+$0x0] =	vst.idx.add.f32.msk $0xffff, v2;
	v13 =	vor.u32 v13, v15;
	v12 =	vor.u32 v4, v12  }
0x2b4: {  	v35 =	vld [tilespmem:s0+$0x0];
	v13 =	vor.u32 v7, v13  }
0x2b5: {  	s28 =	sor.u32 $0x4380, s19;
	v38 =	vor.u32 v8, v13  }
0x2b6: {  	s29 =	sor.u32 s17, s28;
	[tilespmem:v11+s11+$0x0] =	vst.idx.add.f32.msk $0xffff, v2  }
0x2b7: {  	v40 =	vld [tilespmem:s29+$0x0]  }
0x2b8: {  	s30 =	sor.u32 s18, s28;
	[tilespmem:v12+s11+$0x0] =	vst.idx.add.f32.msk $0xffff, v2  }
0x2b9: {  	v37 =	vshll.u32 v35, $0x9;
	v14 =	vshll.u32 v35, $0x7;
	v42 =	vld [tilespmem:s30+$0x0]  }
0x2ba: {  	s31 =	sor.u32 s20, s28;
	v15 =	vand.u32 $0xFFFFF000, v37;
	v14 =	vand.u32 $0x380, v14;
	[tilespmem:v38+s11+$0x0] =	vst.idx.add.f32.msk $0xffff, v2  }
0x2bb: {  	v39 =	vor.u32 v15, v14;
	v44 =	vld [tilespmem:s31+$0x0]  }
0x2bc: {  	v13 =	vor.u32 v9, v39  }
0x2bd: {  	v41 =	vor.u32 v10, v13;
	v43 =	vshll.u32 v40, $0x9;
	v14 =	vshll.u32 v40, $0x7  }
0x2be: {  	v11 =	vand.u32 $0xFFFFF000, v43;
	v14 =	vand.u32 $0x380, v14;
	v45 =	vshll.u32 v42, $0x9  }
0x2bf: {  	v13 =	vshll.u32 v42, $0x7;
	v11 =	vor.u32 v11, v14;
	v12 =	vand.u32 $0xFFFFF000, v45  }
0x2c0: {  	v13 =	vand.u32 $0x380, v13;
	v47 =	vshll.u32 v44, $0x9;
	v11 =	vor.u32 v3, v11  }
0x2c1: {  	v15 =	vshll.u32 v44, $0x7;
	v12 =	vor.u32 v12, v13;
	v11 =	vor.u32 v5, v11  }
0x2c2: {  	v13 =	vand.u32 $0xFFFFF000, v47;
	v15 =	vand.u32 $0x380, v15;
	v12 =	vor.u32 v6, v12  }
0x2c3: {  	s0 =	sor.u32 s21, s28;
	[tilespmem:v41+s11+$0x0] =	vst.idx.add.f32.msk $0xffff, v2;
	v13 =	vor.u32 v13, v15;
	v12 =	vor.u32 v4, v12  }
0x2c4: {  	v46 =	vld [tilespmem:s0+$0x0];
	v13 =	vor.u32 v7, v13  }
0x2c5: {  	s2 =	sor.u32 $0x5000, s19;
	v49 =	vor.u32 v8, v13  }
0x2c6: {  	s3 =	sor.u32 s17, s2;
	[tilespmem:v11+s11+$0x0] =	vst.idx.add.f32.msk $0xffff, v2  }
0x2c7: {  	v51 =	vld [tilespmem:s3+$0x0]  }
0x2c8: {  	s4 =	sor.u32 s18, s2;
	[tilespmem:v12+s11+$0x0] =	vst.idx.add.f32.msk $0xffff, v2  }
0x2c9: {  	v48 =	vshll.u32 v46, $0x9;
	v14 =	vshll.u32 v46, $0x7;
	v53 =	vld [tilespmem:s4+$0x0]  }
0x2ca: {  	s5 =	sor.u32 s20, s2;
	v15 =	vand.u32 $0xFFFFF000, v48;
	v14 =	vand.u32 $0x380, v14;
	[tilespmem:v49+s11+$0x0] =	vst.idx.add.f32.msk $0xffff, v2  }
0x2cb: {  	v50 =	vor.u32 v15, v14;
	v55 =	vld [tilespmem:s5+$0x0]  }
0x2cc: {  	v13 =	vor.u32 v9, v50  }
0x2cd: {  	v52 =	vor.u32 v10, v13;
	v54 =	vshll.u32 v51, $0x9;
	v14 =	vshll.u32 v51, $0x7  }
0x2ce: {  	v11 =	vand.u32 $0xFFFFF000, v54;
	v14 =	vand.u32 $0x380, v14;
	v56 =	vshll.u32 v53, $0x9  }
0x2cf: {  	v13 =	vshll.u32 v53, $0x7;
	v11 =	vor.u32 v11, v14;
	v12 =	vand.u32 $0xFFFFF000, v56  }
0x2d0: {  	v13 =	vand.u32 $0x380, v13;
	v58 =	vshll.u32 v55, $0x9;
	v11 =	vor.u32 v3, v11  }
0x2d1: {  	v15 =	vshll.u32 v55, $0x7;
	v12 =	vor.u32 v12, v13;
	v11 =	vor.u32 v5, v11  }
0x2d2: {  	v13 =	vand.u32 $0xFFFFF000, v58;
	v15 =	vand.u32 $0x380, v15;
	v12 =	vor.u32 v6, v12  }
0x2d3: {  	s0 =	sor.u32 s21, s2;
	[tilespmem:v52+s11+$0x0] =	vst.idx.add.f32.msk $0xffff, v2;
	v13 =	vor.u32 v13, v15;
	v12 =	vor.u32 v4, v12  }
0x2d4: {  	v57 =	vld [tilespmem:s0+$0x0];
	v13 =	vor.u32 v7, v13  }
0x2d5: {  	s6 =	sor.u32 $0x5080, s19;
	v60 =	vor.u32 v8, v13  }
0x2d6: {  	s7 =	sor.u32 s17, s6;
	[tilespmem:v11+s11+$0x0] =	vst.idx.add.f32.msk $0xffff, v2  }
0x2d7: {  	v62 =	vld [tilespmem:s7+$0x0]  }
0x2d8: {  	s8 =	sor.u32 s18, s6;
	[tilespmem:v12+s11+$0x0] =	vst.idx.add.f32.msk $0xffff, v2  }
0x2d9: {  	v59 =	vshll.u32 v57, $0x9;
	v14 =	vshll.u32 v57, $0x7;
	v18 =	vld [tilespmem:s8+$0x0]  }
0x2da: {  	s9 =	sor.u32 s20, s6;
	v15 =	vand.u32 $0xFFFFF000, v59;
	v14 =	vand.u32 $0x380, v14;
	[tilespmem:v60+s11+$0x0] =	vst.idx.add.f32.msk $0xffff, v2  }
0x2db: {  	v61 =	vor.u32 v15, v14;
	v20 =	vld [tilespmem:s9+$0x0]  }
0x2dc: {  	v13 =	vor.u32 v9, v61  }
0x2dd: {  	v63 =	vor.u32 v10, v13;
	v19 =	vshll.u32 v62, $0x9;
	v14 =	vshll.u32 v62, $0x7  }
0x2de: {  	v11 =	vand.u32 $0xFFFFF000, v19;
	v14 =	vand.u32 $0x380, v14;
	v21 =	vshll.u32 v18, $0x9  }
0x2df: {  	v13 =	vshll.u32 v18, $0x7;
	v11 =	vor.u32 v11, v14;
	v12 =	vand.u32 $0xFFFFF000, v21  }
0x2e0: {  	v13 =	vand.u32 $0x380, v13;
	v23 =	vshll.u32 v20, $0x9;
	v11 =	vor.u32 v3, v11  }
0x2e1: {  	v15 =	vshll.u32 v20, $0x7;
	v12 =	vor.u32 v12, v13;
	v11 =	vor.u32 v5, v11  }
0x2e2: {  	v13 =	vand.u32 $0xFFFFF000, v23;
	v15 =	vand.u32 $0x380, v15;
	v12 =	vor.u32 v6, v12  }
0x2e3: {  	s0 =	sor.u32 s21, s6;
	[tilespmem:v63+s11+$0x0] =	vst.idx.add.f32.msk $0xffff, v2;
	v13 =	vor.u32 v13, v15;
	v12 =	vor.u32 v4, v12  }
0x2e4: {  	v22 =	vld [tilespmem:s0+$0x0];
	v13 =	vor.u32 v7, v13  }
0x2e5: {  	s10 =	sor.u32 $0x5100, s19;
	v25 =	vor.u32 v8, v13  }
0x2e6: {  	s12 =	sor.u32 s17, s10;
	[tilespmem:v11+s11+$0x0] =	vst.idx.add.f32.msk $0xffff, v2  }
0x2e7: {  	v27 =	vld [tilespmem:s12+$0x0]  }
0x2e8: {  	s13 =	sor.u32 s18, s10;
	[tilespmem:v12+s11+$0x0] =	vst.idx.add.f32.msk $0xffff, v2  }
0x2e9: {  	v24 =	vshll.u32 v22, $0x9;
	v14 =	vshll.u32 v22, $0x7;
	v29 =	vld [tilespmem:s13+$0x0]  }
0x2ea: {  	s22 =	sor.u32 s20, s10;
	v15 =	vand.u32 $0xFFFFF000, v24;
	v14 =	vand.u32 $0x380, v14;
	[tilespmem:v25+s11+$0x0] =	vst.idx.add.f32.msk $0xffff, v2  }
0x2eb: {  	v26 =	vor.u32 v15, v14;
	v31 =	vld [tilespmem:s22+$0x0]  }
0x2ec: {  	v13 =	vor.u32 v9, v26  }
0x2ed: {  	v28 =	vor.u32 v10, v13;
	v30 =	vshll.u32 v27, $0x9;
	v14 =	vshll.u32 v27, $0x7  }
0x2ee: {  	v11 =	vand.u32 $0xFFFFF000, v30;
	v14 =	vand.u32 $0x380, v14;
	v32 =	vshll.u32 v29, $0x9  }
0x2ef: {  	v13 =	vshll.u32 v29, $0x7;
	v11 =	vor.u32 v11, v14;
	v12 =	vand.u32 $0xFFFFF000, v32  }
0x2f0: {  	v13 =	vand.u32 $0x380, v13;
	v34 =	vshll.u32 v31, $0x9;
	v11 =	vor.u32 v3, v11  }
0x2f1: {  	v15 =	vshll.u32 v31, $0x7;
	v12 =	vor.u32 v12, v13;
	v11 =	vor.u32 v5, v11  }
0x2f2: {  	v13 =	vand.u32 $0xFFFFF000, v34;
	v15 =	vand.u32 $0x380, v15;
	v12 =	vor.u32 v6, v12  }
0x2f3: {  	s0 =	sor.u32 s21, s10;
	[tilespmem:v28+s11+$0x0] =	vst.idx.add.f32.msk $0xffff, v2;
	v13 =	vor.u32 v13, v15;
	v12 =	vor.u32 v4, v12  }
0x2f4: {  	v33 =	vld [tilespmem:s0+$0x0];
	v13 =	vor.u32 v7, v13  }
0x2f5: {  	s23 =	sor.u32 $0x5180, s19;
	v36 =	vor.u32 v8, v13  }
0x2f6: {  	s24 =	sor.u32 s17, s23;
	[tilespmem:v11+s11+$0x0] =	vst.idx.add.f32.msk $0xffff, v2  }
0x2f7: {  	v38 =	vld [tilespmem:s24+$0x0]  }
0x2f8: {  	s25 =	sor.u32 s18, s23;
	[tilespmem:v12+s11+$0x0] =	vst.idx.add.f32.msk $0xffff, v2  }
0x2f9: {  	v35 =	vshll.u32 v33, $0x9;
	v14 =	vshll.u32 v33, $0x7;
	v40 =	vld [tilespmem:s25+$0x0]  }
0x2fa: {  	s26 =	sor.u32 s20, s23;
	v15 =	vand.u32 $0xFFFFF000, v35;
	v14 =	vand.u32 $0x380, v14;
	[tilespmem:v36+s11+$0x0] =	vst.idx.add.f32.msk $0xffff, v2  }
0x2fb: {  	v37 =	vor.u32 v15, v14;
	v42 =	vld [tilespmem:s26+$0x0]  }
0x2fc: {  	v13 =	vor.u32 v9, v37  }
0x2fd: {  	v39 =	vor.u32 v10, v13;
	v41 =	vshll.u32 v38, $0x9;
	v14 =	vshll.u32 v38, $0x7  }
0x2fe: {  	v11 =	vand.u32 $0xFFFFF000, v41;
	v14 =	vand.u32 $0x380, v14;
	v43 =	vshll.u32 v40, $0x9  }
0x2ff: {  	v13 =	vshll.u32 v40, $0x7;
	v11 =	vor.u32 v11, v14;
	v12 =	vand.u32 $0xFFFFF000, v43  }
0x300: {  	v13 =	vand.u32 $0x380, v13;
	v45 =	vshll.u32 v42, $0x9;
	v11 =	vor.u32 v3, v11  }
0x301: {  	v15 =	vshll.u32 v42, $0x7;
	v12 =	vor.u32 v12, v13;
	v11 =	vor.u32 v5, v11  }
0x302: {  	v13 =	vand.u32 $0xFFFFF000, v45;
	v15 =	vand.u32 $0x380, v15;
	v12 =	vor.u32 v6, v12  }
0x303: {  	s0 =	sor.u32 s21, s23;
	[tilespmem:v39+s11+$0x0] =	vst.idx.add.f32.msk $0xffff, v2;
	v13 =	vor.u32 v13, v15;
	v12 =	vor.u32 v4, v12  }
0x304: {  	v44 =	vld [tilespmem:s0+$0x0];
	v13 =	vor.u32 v7, v13  }
0x305: {  	s28 =	sor.u32 $0x5200, s19;
	v47 =	vor.u32 v8, v13  }
0x306: {  	s29 =	sor.u32 s17, s28;
	[tilespmem:v11+s11+$0x0] =	vst.idx.add.f32.msk $0xffff, v2  }
0x307: {  	v49 =	vld [tilespmem:s29+$0x0]  }
0x308: {  	s30 =	sor.u32 s18, s28;
	[tilespmem:v12+s11+$0x0] =	vst.idx.add.f32.msk $0xffff, v2  }
0x309: {  	v46 =	vshll.u32 v44, $0x9;
	v14 =	vshll.u32 v44, $0x7;
	v51 =	vld [tilespmem:s30+$0x0]  }
0x30a: {  	s31 =	sor.u32 s20, s28;
	v15 =	vand.u32 $0xFFFFF000, v46;
	v14 =	vand.u32 $0x380, v14;
	[tilespmem:v47+s11+$0x0] =	vst.idx.add.f32.msk $0xffff, v2  }
0x30b: {  	v48 =	vor.u32 v15, v14;
	v53 =	vld [tilespmem:s31+$0x0]  }
0x30c: {  	v13 =	vor.u32 v9, v48  }
0x30d: {  	v50 =	vor.u32 v10, v13;
	v52 =	vshll.u32 v49, $0x9;
	v14 =	vshll.u32 v49, $0x7  }
0x30e: {  	v11 =	vand.u32 $0xFFFFF000, v52;
	v14 =	vand.u32 $0x380, v14;
	v54 =	vshll.u32 v51, $0x9  }
0x30f: {  	v13 =	vshll.u32 v51, $0x7;
	v11 =	vor.u32 v11, v14;
	v12 =	vand.u32 $0xFFFFF000, v54  }
0x310: {  	v13 =	vand.u32 $0x380, v13;
	v56 =	vshll.u32 v53, $0x9;
	v11 =	vor.u32 v3, v11  }
0x311: {  	v15 =	vshll.u32 v53, $0x7;
	v12 =	vor.u32 v12, v13;
	v11 =	vor.u32 v5, v11  }
0x312: {  	s0 =	sor.u32 s21, s28;
	[tilespmem:v50+s11+$0x0] =	vst.idx.add.f32.msk $0xffff, v2;
	v13 =	vand.u32 $0xFFFFF000, v56;
	v15 =	vand.u32 $0x380, v15;
	v12 =	vor.u32 v6, v12  }
0x313: {  	v55 =	vld [tilespmem:s0+$0x0];
	v13 =	vor.u32 v13, v15;
	v12 =	vor.u32 v4, v12  }
0x314: {  	v13 =	vor.u32 v7, v13  }
0x315: {  	s2 =	sor.u32 $0x5280, s19;
	v58 =	vor.u32 v8, v13  }
0x316: {  	s3 =	sor.u32 s17, s2;
	[tilespmem:v11+s11+$0x0] =	vst.idx.add.f32.msk $0xffff, v2  }
0x317: {  	v60 =	vld [tilespmem:s3+$0x0]  }
0x318: {  	s4 =	sor.u32 s18, s2;
	v57 =	vshll.u32 v55, $0x9;
	v14 =	vshll.u32 v55, $0x7;
	[tilespmem:v12+s11+$0x0] =	vst.idx.add.f32.msk $0xffff, v2  }
0x319: {  	v15 =	vand.u32 $0xFFFFF000, v57;
	v14 =	vand.u32 $0x380, v14;
	v62 =	vld [tilespmem:s4+$0x0]  }
0x31a: {  	s5 =	sor.u32 s20, s2;
	v59 =	vor.u32 v15, v14;
	[tilespmem:v58+s11+$0x0] =	vst.idx.add.f32.msk $0xffff, v2  }
0x31b: {  	v13 =	vor.u32 v9, v59;
	v18 =	vld [tilespmem:s5+$0x0]  }
0x31c: {  	v61 =	vor.u32 v10, v13  }
0x31d: {  	v63 =	vshll.u32 v60, $0x9;
	v14 =	vshll.u32 v60, $0x7  }
0x31e: {  	v11 =	vand.u32 $0xFFFFF000, v63;
	v14 =	vand.u32 $0x380, v14;
	v19 =	vshll.u32 v62, $0x9  }
0x31f: {  	v13 =	vshll.u32 v62, $0x7;
	v11 =	vor.u32 v11, v14;
	v12 =	vand.u32 $0xFFFFF000, v19  }
0x320: {  	v13 =	vand.u32 $0x380, v13;
	v21 =	vshll.u32 v18, $0x9;
	v11 =	vor.u32 v3, v11  }
0x321: {  	s0 =	sor.u32 s21, s2;
	[tilespmem:v61+s11+$0x0] =	vst.idx.add.f32.msk $0xffff, v2;
	v15 =	vshll.u32 v18, $0x7;
	v12 =	vor.u32 v12, v13;
	v11 =	vor.u32 v5, v11  }
0x322: {  	v20 =	vld [tilespmem:s0+$0x0];
	v13 =	vand.u32 $0xFFFFF000, v21;
	v15 =	vand.u32 $0x380, v15;
	v12 =	vor.u32 v6, v12  }
0x323: {  	v13 =	vor.u32 v13, v15;
	v12 =	vor.u32 v4, v12  }
0x324: {  	v13 =	vor.u32 v7, v13  }
0x325: {  	s6 =	sor.u32 $0x5300, s19;
	v23 =	vor.u32 v8, v13  }
0x326: {  	s7 =	sor.u32 s17, s6;
	[tilespmem:v11+s11+$0x0] =	vst.idx.add.f32.msk $0xffff, v2  }
0x327: {  	v22 =	vshll.u32 v20, $0x9;
	v14 =	vshll.u32 v20, $0x7;
	v25 =	vld [tilespmem:s7+$0x0]  }
0x328: {  	s8 =	sor.u32 s18, s6;
	v15 =	vand.u32 $0xFFFFF000, v22;
	v14 =	vand.u32 $0x380, v14;
	[tilespmem:v12+s11+$0x0] =	vst.idx.add.f32.msk $0xffff, v2  }
0x329: {  	v24 =	vor.u32 v15, v14;
	v27 =	vld [tilespmem:s8+$0x0]  }
0x32a: {  	s9 =	sor.u32 s20, s6;
	v13 =	vor.u32 v9, v24;
	[tilespmem:v23+s11+$0x0] =	vst.idx.add.f32.msk $0xffff, v2  }
0x32b: {  	v26 =	vor.u32 v10, v13;
	v29 =	vld [tilespmem:s9+$0x0];
	_ =	sdelay $0x1  }
0x32c: {  	v28 =	vshll.u32 v25, $0x9;
	v14 =	vshll.u32 v25, $0x7  }
0x32d: {  	v11 =	vand.u32 $0xFFFFF000, v28;
	v14 =	vand.u32 $0x380, v14;
	v30 =	vshll.u32 v27, $0x9  }
0x32e: {  	v13 =	vshll.u32 v27, $0x7;
	v11 =	vor.u32 v11, v14;
	v12 =	vand.u32 $0xFFFFF000, v30  }
0x32f: {  	s0 =	sor.u32 s21, s6;
	[tilespmem:v26+s11+$0x0] =	vst.idx.add.f32.msk $0xffff, v2;
	v13 =	vand.u32 $0x380, v13;
	v32 =	vshll.u32 v29, $0x9;
	v11 =	vor.u32 v3, v11  }
0x330: {  	v31 =	vld [tilespmem:s0+$0x0];
	v15 =	vshll.u32 v29, $0x7;
	v12 =	vor.u32 v12, v13;
	v11 =	vor.u32 v5, v11  }
0x331: {  	v13 =	vand.u32 $0xFFFFF000, v32;
	v15 =	vand.u32 $0x380, v15;
	v12 =	vor.u32 v6, v12  }
0x332: {  	v13 =	vor.u32 v13, v15;
	v12 =	vor.u32 v4, v12  }
0x333: {  	v13 =	vor.u32 v7, v13  }
0x334: {  	s10 =	sor.u32 $0x5380, s19;
	v34 =	vor.u32 v8, v13  }
0x335: {  	s12 =	sor.u32 s17, s10;
	v33 =	vshll.u32 v31, $0x9;
	v14 =	vshll.u32 v31, $0x7;
	[tilespmem:v11+s11+$0x0] =	vst.idx.add.f32.msk $0xffff, v2  }
0x336: {  	v15 =	vand.u32 $0xFFFFF000, v33;
	v14 =	vand.u32 $0x380, v14;
	v36 =	vld [tilespmem:s12+$0x0]  }
0x337: {  	s13 =	sor.u32 s18, s10;
	v35 =	vor.u32 v15, v14;
	[tilespmem:v12+s11+$0x0] =	vst.idx.add.f32.msk $0xffff, v2  }
0x338: {  	v13 =	vor.u32 v9, v35;
	v38 =	vld [tilespmem:s13+$0x0]  }
0x339: {  	s22 =	sor.u32 s20, s10;
	v37 =	vor.u32 v10, v13;
	[tilespmem:v34+s11+$0x0] =	vst.idx.add.f32.msk $0xffff, v2  }
0x33a: {  	v40 =	vld [tilespmem:s22+$0x0];
	_ =	sdelay $0x1  }
0x33b: {  	v39 =	vshll.u32 v36, $0x9;
	v14 =	vshll.u32 v36, $0x7  }
0x33c: {  	v11 =	vand.u32 $0xFFFFF000, v39;
	v14 =	vand.u32 $0x380, v14;
	v41 =	vshll.u32 v38, $0x9  }
0x33d: {  	s0 =	sor.u32 s21, s10;
	[tilespmem:v37+s11+$0x0] =	vst.idx.add.f32.msk $0xffff, v2;
	v13 =	vshll.u32 v38, $0x7;
	v11 =	vor.u32 v11, v14;
	v12 =	vand.u32 $0xFFFFF000, v41  }
0x33e: {  	v42 =	vld [tilespmem:s0+$0x0];
	v13 =	vand.u32 $0x380, v13;
	v43 =	vshll.u32 v40, $0x9;
	v11 =	vor.u32 v3, v11  }
0x33f: {  	v15 =	vshll.u32 v40, $0x7;
	v12 =	vor.u32 v12, v13;
	v11 =	vor.u32 v5, v11  }
0x340: {  	v13 =	vand.u32 $0xFFFFF000, v43;
	v15 =	vand.u32 $0x380, v15;
	v12 =	vor.u32 v6, v12  }
0x341: {  	v13 =	vor.u32 v13, v15;
	v12 =	vor.u32 v4, v12  }
0x342: {  	v13 =	vor.u32 v7, v13  }
0x343: {  	s23 =	sor.u32 $0x6000, s19;
	v45 =	vor.u32 v8, v13;
	v44 =	vshll.u32 v42, $0x9;
	v14 =	vshll.u32 v42, $0x7  }
0x344: {  	s24 =	sor.u32 s17, s23;
	v15 =	vand.u32 $0xFFFFF000, v44;
	v14 =	vand.u32 $0x380, v14;
	[tilespmem:v11+s11+$0x0] =	vst.idx.add.f32.msk $0xffff, v2  }
0x345: {  	v46 =	vor.u32 v15, v14;
	v47 =	vld [tilespmem:s24+$0x0]  }
0x346: {  	s25 =	sor.u32 s18, s23;
	v13 =	vor.u32 v9, v46;
	[tilespmem:v12+s11+$0x0] =	vst.idx.add.f32.msk $0xffff, v2  }
0x347: {  	v48 =	vor.u32 v10, v13;
	v49 =	vld [tilespmem:s25+$0x0]  }
0x348: {  	s26 =	sor.u32 s20, s23;
	[tilespmem:v45+s11+$0x0] =	vst.idx.add.f32.msk $0xffff, v2  }
0x349: {  	v11 =	vld [tilespmem:s26+$0x0];
	_ =	sdelay $0x1  }
0x34a: {  	v50 =	vshll.u32 v47, $0x9;
	v14 =	vshll.u32 v47, $0x7  }
0x34b: {  	s0 =	sor.u32 s21, s23;
	v15 =	vand.u32 $0xFFFFF000, v50;
	v14 =	vand.u32 $0x380, v14;
	[tilespmem:v48+s11+$0x0] =	vst.idx.add.f32.msk $0xffff, v2;
	v51 =	vshll.u32 v49, $0x9  }
0x34c: {  	v13 =	vshll.u32 v49, $0x7;
	v12 =	vld [tilespmem:s0+$0x0];
	v14 =	vor.u32 v15, v14;
	v15 =	vand.u32 $0xFFFFF000, v51  }
0x34d: {  	v13 =	vand.u32 $0x380, v13;
	v52 =	vshll.u32 v11, $0x9;
	v14 =	vor.u32 v3, v14  }
0x34e: {  	v11 =	vshll.u32 v11, $0x7;
	v13 =	vor.u32 v15, v13;
	v14 =	vor.u32 v5, v14  }
0x34f: {  	v15 =	vand.u32 $0xFFFFF000, v52;
	v11 =	vand.u32 $0x380, v11;
	v13 =	vor.u32 v6, v13  }
0x350: {  	v11 =	vor.u32 v15, v11;
	v13 =	vor.u32 v4, v13  }
0x351: {  	v11 =	vor.u32 v7, v11;
	v53 =	vshll.u32 v12, $0x9;
	v12 =	vshll.u32 v12, $0x7  }
0x352: {  	s28 =	sor.u32 $0x6080, s19;
	v11 =	vor.u32 v8, v11;
	v15 =	vand.u32 $0xFFFFF000, v53;
	v12 =	vand.u32 $0x380, v12  }
0x353: {  	s29 =	sor.u32 s17, s28;
	v12 =	vor.u32 v15, v12;
	[tilespmem:v14+s11+$0x0] =	vst.idx.add.f32.msk $0xffff, v2  }
0x354: {  	v12 =	vor.u32 v9, v12;
	v14 =	vld [tilespmem:s29+$0x0]  }
0x355: {  	s30 =	sor.u32 s18, s28;
	[tilespmem:v13+s11+$0x0] =	vst.idx.add.f32.msk $0xffff, v2;
	v12 =	vor.u32 v10, v12  }
0x356: {  	v13 =	vld [tilespmem:s30+$0x0]  }
0x357: {  	s31 =	sor.u32 s20, s28;
	[tilespmem:v11+s11+$0x0] =	vst.idx.add.f32.msk $0xffff, v2  }
0x358: {  	v11 =	vld [tilespmem:s31+$0x0];
	_ =	sdelay $0x1  }
0x359: {  	s0 =	sor.u32 s21, s28;
	v54 =	vshll.u32 v14, $0x9;
	v14 =	vshll.u32 v14, $0x7;
	[tilespmem:v12+s11+$0x0] =	vst.idx.add.f32.msk $0xffff, v2  }
0x35a: {  	v15 =	vand.u32 $0xFFFFF000, v54;
	v14 =	vand.u32 $0x380, v14;
	v12 =	vld [tilespmem:s0+$0x0]  }
0x35b: {  	v55 =	vshll.u32 v13, $0x9;
	v13 =	vshll.u32 v13, $0x7;
	v14 =	vor.u32 v15, v14  }
0x35c: {  	v56 =	vand.u32 $0xFFFFF000, v55;
	v13 =	vand.u32 $0x380, v13;
	v58 =	vshll.u32 v11, $0x9  }
0x35d: {  	v11 =	vshll.u32 v11, $0x7;
	v3 =	vor.u32 v3, v14;
	v57 =	vor.u32 v56, v13  }
0x35e: {  	v59 =	vand.u32 $0xFFFFF000, v58;
	v11 =	vand.u32 $0x380, v11;
	v3 =	vor.u32 v5, v3  }
0x35f: {  	v5 =	vor.u32 v6, v57;
	v60 =	vshll.u32 v12, $0x9;
	v12 =	vshll.u32 v12, $0x7  }
0x360: {  	v6 =	vor.u32 v59, v11;
	v61 =	vand.u32 $0xFFFFF000, v60;
	v12 =	vand.u32 $0x380, v12  }
0x361: {  	v4 =	vor.u32 v4, v5;
	v62 =	vor.u32 v7, v6;
	v63 =	vor.u32 v61, v12  }
0x362: {  	v5 =	vor.u32 v8, v62;
	v6 =	vor.u32 v9, v63  }
0x363: {  	p0 =	slt.u32 s16, $0x1C0;
	v6 =	vor.u32 v10, v6  }
.Ltmp1:
0x364: {  	_ = 	snop;
	(pc) =	sbr.rel @p0 .LBB2_4-.Ltmp1, $4  }
0x365: {  	[tilespmem:v3+s11+$0x0] =	vst.idx.add.f32.msk $0xffff, v2  }
0x366: {  	[tilespmem:v4+s11+$0x0] =	vst.idx.add.f32.msk $0xffff, v2  }
0x367: {  	[tilespmem:v5+s11+$0x0] =	vst.idx.add.f32.msk $0xffff, v2  }
0x368: {  	s14 =	sadd.s32 $0x40, s14;
	s15 =	sadd.s32 $0x200, s15;
	[tilespmem:v6+s11+$0x0] =	vst.idx.add.f32.msk $0xffff, v2  }
0x369: {  	s0 =	rddreg [dreg:$0x5]  }
0x36a: {  	s2 =	simm.s32 $0x1000;
	s3 =	simm.s32 $0x20000;
	s4 =	simm.s32 $0x1  }
0x36b: {  	[hbm4b:s0+s2] =	stream.strided.scatter [tilespmem:s11], [sflag:$0x1], $0x2000, s3, s2, $0x38;
	[tilespmem:$0x9000] =	vst v63  }
0x36c: {  	_ =	swait.ge [sflag:s4], $0x2000  }
0x36d: {  	s1 =	rddreg [dreg:$0x7]  }
0x36e: {  	s31 =	rddreg [dreg:$0x6];
	s1 =	sadd.s32 $0x1, s1  }
0x36f: {  	p0 =	sne.s32 s1, s31  }
.Ltmp2:
0x370: {  	_ = 	snop;
	(pc) =	sbr.rel @p0 .LBB2_1-.Ltmp2, $3  }
0x371: {  	_ =	sdelay $0x1  }
0x372: {  	[sflag:s4] =	ssyncset.done $0x0  }
0x373: {  	[sflag:s4] =	ssyncadd.s32 $0xFFFFE000  }
0x374: {  	_ =	sfence.sel $0x180000  }
0x375: {  	[bflag:$0x0] =	sbarrier.arrive $0xFFFF  }
0x376: {  	_ =	strace $0x90000047  }
0x377: {  	s0 =	stileid.u32;
	[bflag:$0x2] =	sbarrier.arrive $0xFFFF  }
0x378: {  	p0 =	sne.s32 s0, $0x0;
	s0 =	rddreg [dreg:$0x2]  }
0x379: {  	s0 =	sadd.s32 @!p0 $0x100000, s0  }
0x37a: {  	[sflag:s0] =	ssyncadd.tile.s32 @!p0 $0x1;
	_ =	shalt  }
.Lfunc_end2:
_tile_overlayer_lowered:
.L_overlay_start_2:
0x37b: {  	(tag) =	ssettag $0x2  }
0x37c: {  	s0 =	rddreg [dreg:$0x0];
	s2 =	stileid.u32  }
0x37d: {  	s1 =	rddreg [dreg:$0x1];
	p0 =	sne.s32 s2, $0x0  }
0x37e: {  	s3 =	rddreg [dreg:$0x2];
	[bflag:$0x3] =	sbarrier.arrive $0xFFFF;
	s2 =	simm.s32 @!p0 $0x1C03  }
0x37f: {  	[timem:s3], [sflag:s2] =	dma.local @!p0 [hbm:s0], s1  }
0x380: {  	s0 =	simm.s32 @!p0 $0x3  }
0x381: {  	_ =	swait.ge @!p0 [sflag:s0], s1  }
0x382: {  	s1 =	ssub.s32 @!p0 $0x0, s1;
	[sflag:s0] =	ssyncset.done @!p0 $0x0  }
0x383: {  	[sflag:s0] =	ssyncadd.s32 @!p0 s1  }
0x384: {  	[bflag:$0x3] =	sbarrier.arrive $0xFFFF  }
0x385: {  	_ =	shalt  }

</sc_bundles>
